<compile_context>
chip_gen: v7x
topology: tpu7x:2x2x1
jax: 0.10.2.dev20260603
libtpu: 0.0.44.dev20260713+nightly
codegen_flags: <defaults>
</compile_context>

<pallas_src>
import functools

import jax
import jax.numpy as jnp
from jax import lax
from jax.experimental import pallas as pl
from jax.experimental.pallas import tpu as pltpu
from jax.experimental.pallas import tpu_sc as plsc

N = 10000
E = 320000
D = 128
EPS = 1e-5

NPAD = 10112
NC = 2
NS = 16
NT = NC * NS
CH = 128
CPT = 80
EPAD = NT * CPT * CH
RPS = NPAD // NS


def _mm_body(x_ref, w_ref, o_ref):
    o_ref[...] = jnp.dot(x_ref[...], w_ref[...],
                         preferred_element_type=jnp.float32)


def _matmul(x, w):
    return pl.pallas_call(
        _mm_body,
        out_shape=jax.ShapeDtypeStruct((NPAD, D), jnp.float32),
    )(x, w)


_SC_MESH = plsc.VectorSubcoreMesh(core_axis_name="c", subcore_axis_name="s")


@functools.partial(
    pl.kernel,
    mesh=_SC_MESH,
    out_type=jax.ShapeDtypeStruct((NC, NPAD, D), jnp.float32),
    scratch_types=[
        pltpu.VMEM((CPT // 2, CH), jnp.int32),
        pltpu.VMEM((CPT // 2, CH), jnp.int32),
        pltpu.VMEM((CH, D), jnp.float32),
        pltpu.VMEM((CH, D), jnp.float32),
        pltpu.VMEM_SHARED((NPAD, D), jnp.float32),
        pltpu.SemaphoreType.DMA,
        pltpu.SemaphoreType.DMA,
    ],
)
def _segsum(m_hbm, src_hbm, dst_hbm, zeros_hbm, out_hbm,
            src_v, dst_v, buf_a, buf_b, acc, sem_a, sem_b):
    c = lax.axis_index("c")
    s = lax.axis_index("s")
    tid = c * NS + s
    half = CPT // 2

    pltpu.sync_copy(zeros_hbm.at[pl.ds(s * RPS, RPS)],
                    acc.at[pl.ds(s * RPS, RPS)])
    plsc.subcore_barrier()

    for h in range(2):
        pltpu.sync_copy(src_hbm.at[tid, pl.ds(h * half, half)], src_v)
        pltpu.sync_copy(dst_hbm.at[tid, pl.ds(h * half, half)], dst_v)
        pltpu.async_copy(m_hbm.at[src_v.at[0]], buf_a, sem_a)

        def body(jj, carry):
            j0 = jj * 2
            pltpu.async_copy(m_hbm.at[src_v.at[j0 + 1]], buf_b, sem_b)
            pltpu.make_async_copy(m_hbm.at[src_v.at[j0]], buf_a, sem_a).wait()
            pltpu.sync_copy(buf_a, acc.at[dst_v.at[j0]], add=True)

            @pl.when(jj + 1 < half // 2)
            def _():
                pltpu.async_copy(m_hbm.at[src_v.at[j0 + 2]], buf_a, sem_a)

            pltpu.make_async_copy(m_hbm.at[src_v.at[j0 + 1]], buf_b,
                                  sem_b).wait()
            pltpu.sync_copy(buf_b, acc.at[dst_v.at[j0 + 1]], add=True)
            return carry

        lax.fori_loop(0, half // 2, body, 0)

    plsc.subcore_barrier()
    pltpu.sync_copy(acc.at[pl.ds(s * RPS, RPS)],
                    out_hbm.at[c, pl.ds(s * RPS, RPS)])


def _post_body(p_ref, b_ref, g_ref, be_ref, ca_ref, aa_ref, o_ref):
    agg = p_ref[0, 0:N, :] + p_ref[1, 0:N, :] + b_ref[...]
    z = jnp.where(agg > 0, agg, ca_ref[...] * agg)
    mean = jnp.mean(z, axis=0, keepdims=True)
    var = jnp.mean((z - mean) ** 2, axis=0, keepdims=True)
    hn = (z - mean) * lax.rsqrt(var + EPS) * g_ref[...] + be_ref[...]
    o_ref[0:N, :] = jnp.where(hn > 0, hn, aa_ref[...] * hn)
    o_ref[pl.ds(N, NPAD - N), :] = jnp.zeros((NPAD - N, D), jnp.float32)


def _post(parts, b_i, gamma_i, beta_i, ca_i, aa_i):
    return pl.pallas_call(
        _post_body,
        out_shape=jax.ShapeDtypeStruct((NPAD, D), jnp.float32),
    )(parts, b_i, gamma_i, beta_i, ca_i, aa_i)


def kernel(heat, edge_index, W, b, conv_a, gamma, beta, act_a):
    src = edge_index[0]
    dst = edge_index[1]
    pad = EPAD - E
    src_p = jnp.concatenate([src, jnp.full((pad,), N, jnp.int32)])
    dst_p = jnp.concatenate([dst, jnp.full((pad,), N, jnp.int32)])
    src_p = src_p.reshape(NT, CPT, CH)
    dst_p = dst_p.reshape(NT, CPT, CH)
    h = jnp.concatenate(
        [heat, jnp.zeros((NPAD - N, D), jnp.float32)], axis=0)
    zeros = jnp.zeros((NPAD, D), jnp.float32)
    for i in range(2):
        m = _matmul(h, W[i])
        parts = _segsum(m, src_p, dst_p, zeros)
        h = _post(parts,
                  b[i].reshape(1, D),
                  gamma[i].reshape(1, D),
                  beta[i].reshape(1, D),
                  jnp.full((1, D), conv_a[i], jnp.float32),
                  jnp.full((1, D), act_a[i], jnp.float32))
    return h[0:N]

# --- scband reference (transcript-rebuilt; emitter-appended) ---
"""Pipeline reference for scband-decoder1-25031069401694 (READ-ONLY COPY).

The authoritative reference and input builder live on the scoring server;
editing this copy changes nothing except your own understanding.
"""

import jax, jax.numpy as jnp
import numpy as np

N_NODES = 10000
N_EDGES = 320000
D = 128
N_LAYERS = 2
EPS = 1e-5

def setup_inputs(seed: int = 0) -> dict:
    key = jax.random.key(seed)
    ks = jax.random.split(key, 10)
    x = jax.random.normal(ks[0], (N_NODES, D), dtype=jnp.float32)
    src = jax.random.randint(ks[1], (N_EDGES,), 0, N_NODES, dtype=jnp.int32)
    dst = jax.random.randint(ks[2], (N_EDGES,), 0, N_NODES, dtype=jnp.int32)
    edge_index = jnp.stack([src, dst], axis=0)
    W = jax.random.normal(ks[3], (N_LAYERS, D, D), dtype=jnp.float32) * (1.0 / np.sqrt(D))
    b = jnp.zeros((N_LAYERS, D), dtype=jnp.float32)
    conv_a = jnp.full((N_LAYERS,), 0.25, dtype=jnp.float32)
    gamma = jnp.ones((N_LAYERS, D), dtype=jnp.float32)
    beta = jnp.zeros((N_LAYERS, D), dtype=jnp.float32)
    act_a = jnp.full((N_LAYERS,), 0.25, dtype=jnp.float32)
    return {"heat": x, "edge_index": edge_index, "W": W, "b": b, "conv_a": conv_a, "gamma": gamma, "beta": beta, "act_a": act_a}

def reference(heat, edge_index, W, b, conv_a, gamma, beta, act_a):
    src = edge_index[0]
    dst = edge_index[1]
    h = heat  # dropout is identity in inference
    for i in range(N_LAYERS):
        # GraphConv with norm='none': project, then sum-aggregate src->dst, add bias, PReLU activation
        m = h @ W[i]
        agg = jax.ops.segment_sum(m[src], dst, num_segments=N_NODES)
        agg = agg + b[i]
        agg = jnp.where(agg > 0, agg, conv_a[i] * agg)  # conv activation PReLU
        # BatchNorm1d (training-style statistics over node dimension)
        mean = jnp.mean(agg, axis=0)
        var = jnp.var(agg, axis=0)
        hn = (agg - mean) / jnp.sqrt(var + EPS) * gamma[i] + beta[i]
        # outer PReLU action
        h = jnp.where(hn > 0, hn, act_a[i] * hn)
    return h

if __name__ == "__main__":
    import jax
    _d = setup_inputs()
    print(jax.jit(kernel)(*tuple(_d.values())))

</pallas_src>

<mosaic_0001>
#map = affine_map<(d0, d1) -> (0, 0)>
#map1 = affine_map<(d0, d1) -> (0, 0, 0)>
module attributes {stable_mosaic.version = 14 : i64} {
  func.func @_segsum(%arg0: i32, %arg1: i32, %arg2: memref<10112x128xf32, #tpu.memory_space<hbm>>, %arg3: memref<32x80x128xi32, #tpu.memory_space<hbm>>, %arg4: memref<32x80x128xi32, #tpu.memory_space<hbm>>, %arg5: memref<10112x128xf32, #tpu.memory_space<hbm>>, %arg6: memref<2x10112x128xf32, #tpu.memory_space<hbm>>, %arg7: memref<40x128xi32, #tpu.memory_space<vmem>>, %arg8: memref<40x128xi32, #tpu.memory_space<vmem>>, %arg9: memref<128x128xf32, #tpu.memory_space<vmem>>, %arg10: memref<128x128xf32, #tpu.memory_space<vmem>>, %arg11: memref<10112x128xf32, #tpu.memory_space<vmem_shared>>, %arg12: memref<!tpu.dma_semaphore, #tpu.memory_space<semaphore_mem>>, %arg13: memref<!tpu.dma_semaphore, #tpu.memory_space<semaphore_mem>>) attributes {dimension_semantics = [#tpu.dimension_semantics<core_parallel>, #tpu.dimension_semantics<subcore_parallel>], iteration_bounds = array<i64: 2, 16>, scalar_prefetch = 0 : i64, scratch_operands = 7 : i64, tpu.core_type = #tpu.core_type<sc_vector_subcore>, window_params = [{transform_indices = #map}, {transform_indices = #map1}, {transform_indices = #map1}, {transform_indices = #map}, {transform_indices = #map1}]} {
    %mul3A = arith.constant 16 : i32
    %mul3A_0 = arith.muli %arg0, %mul3A : i32
    %add3A = arith.addi %mul3A_0, %arg1 : i32
    %mul3A_1 = arith.constant 632 : i32
    %mul3A_2 = arith.muli %arg1, %mul3A_1 : i32
    %mul3A_3 = arith.constant 632 : i32
    %mul3A_4 = arith.muli %arg1, %mul3A_3 : i32
    "tpu.region"() ({
      %run_scoped3A = tpu.sem_alloc : memref<!tpu.dma_semaphore, #tpu.memory_space<semaphore_mem>>
      %dma_start3A_34 = arith.constant 0 : i32
      %dma_start3A_35 = tpu.memref_slice %arg11[%mul3A_4, %dma_start3A_34] : memref<10112x128xf32, #tpu.memory_space<vmem_shared>> -> memref<632x128xf32, #tpu.memory_space<vmem_shared>>
      %dma_start3A_36 = arith.constant 0 : i32
      %dma_start3A_37 = tpu.memref_slice %arg5[%mul3A_2, %dma_start3A_36] : memref<10112x128xf32, #tpu.memory_space<hbm>> -> memref<632x128xf32, #tpu.memory_space<hbm>>
      tpu.enqueue_dma source(%dma_start3A_37 : memref<632x128xf32, #tpu.memory_space<hbm>>) target(%dma_start3A_35 : memref<632x128xf32, #tpu.memory_space<vmem_shared>>) target_semaphore(%run_scoped3A : memref<!tpu.dma_semaphore, #tpu.memory_space<semaphore_mem>>)
      %dma_wait3A = arith.constant 0 : i32
      %dma_wait3A_38 = tpu.memref_slice %arg11[%mul3A_4, %dma_wait3A] : memref<10112x128xf32, #tpu.memory_space<vmem_shared>> -> memref<632x128xf32, #tpu.memory_space<vmem_shared>>
      %dma_wait3A_39 = arith.constant 0 : i32
      %dma_wait3A_40 = tpu.memref_slice %arg5[%mul3A_2, %dma_wait3A_39] : memref<10112x128xf32, #tpu.memory_space<hbm>> -> memref<632x128xf32, #tpu.memory_space<hbm>>
      tpu.wait_dma2 semaphore(%run_scoped3A : memref<!tpu.dma_semaphore, #tpu.memory_space<semaphore_mem>>) src(%dma_wait3A_40 : memref<632x128xf32, #tpu.memory_space<hbm>>) dst(%dma_wait3A_38 : memref<632x128xf32, #tpu.memory_space<vmem_shared>>)
      tpu.yield
    }) : () -> ()
    %barrier3A = arith.constant 0 : index
    tpu.barrier barrier_id(%barrier3A)
    "tpu.region"() ({
      %run_scoped3A = tpu.sem_alloc : memref<!tpu.dma_semaphore, #tpu.memory_space<semaphore_mem>>
      %dma_start3A_34 = arith.constant 0 : i32
      %dma_start3A_35 = arith.constant 0 : i32
      %dma_start3A_36 = tpu.memref_slice %arg3[%add3A, %dma_start3A_34, %dma_start3A_35] : memref<32x80x128xi32, #tpu.memory_space<hbm>> -> memref<1x40x128xi32, #tpu.memory_space<hbm>>
      %dma_start3A_37 = tpu.memref_squeeze %dma_start3A_36 : memref<1x40x128xi32, #tpu.memory_space<hbm>> -> memref<40x128xi32, #tpu.memory_space<hbm>>
      %dma_start3A_38 = arith.constant 0 : i32
      %dma_start3A_39 = arith.constant 0 : i32
      %dma_start3A_40 = tpu.memref_slice %arg3[%add3A, %dma_start3A_38, %dma_start3A_39] : memref<32x80x128xi32, #tpu.memory_space<hbm>> -> memref<1x40x128xi32, #tpu.memory_space<hbm>>
      %dma_start3A_41 = tpu.memref_squeeze %dma_start3A_40 : memref<1x40x128xi32, #tpu.memory_space<hbm>> -> memref<40x128xi32, #tpu.memory_space<hbm>>
      tpu.enqueue_dma source(%dma_start3A_41 : memref<40x128xi32, #tpu.memory_space<hbm>>) target(%arg7 : memref<40x128xi32, #tpu.memory_space<vmem>>) target_semaphore(%run_scoped3A : memref<!tpu.dma_semaphore, #tpu.memory_space<semaphore_mem>>)
      %dma_wait3A = arith.constant 0 : i32
      %dma_wait3A_42 = arith.constant 0 : i32
      %dma_wait3A_43 = tpu.memref_slice %arg3[%add3A, %dma_wait3A, %dma_wait3A_42] : memref<32x80x128xi32, #tpu.memory_space<hbm>> -> memref<1x40x128xi32, #tpu.memory_space<hbm>>
      %dma_wait3A_44 = tpu.memref_squeeze %dma_wait3A_43 : memref<1x40x128xi32, #tpu.memory_space<hbm>> -> memref<40x128xi32, #tpu.memory_space<hbm>>
      %dma_wait3A_45 = arith.constant 0 : i32
      %dma_wait3A_46 = arith.constant 0 : i32
      %dma_wait3A_47 = tpu.memref_slice %arg3[%add3A, %dma_wait3A_45, %dma_wait3A_46] : memref<32x80x128xi32, #tpu.memory_space<hbm>> -> memref<1x40x128xi32, #tpu.memory_space<hbm>>
      %dma_wait3A_48 = tpu.memref_squeeze %dma_wait3A_47 : memref<1x40x128xi32, #tpu.memory_space<hbm>> -> memref<40x128xi32, #tpu.memory_space<hbm>>
      tpu.wait_dma2 semaphore(%run_scoped3A : memref<!tpu.dma_semaphore, #tpu.memory_space<semaphore_mem>>) src(%dma_wait3A_48 : memref<40x128xi32, #tpu.memory_space<hbm>>) dst(%arg7 : memref<40x128xi32, #tpu.memory_space<vmem>>)
      tpu.yield
    }) : () -> ()
    "tpu.region"() ({
      %run_scoped3A = tpu.sem_alloc : memref<!tpu.dma_semaphore, #tpu.memory_space<semaphore_mem>>
      %dma_start3A_34 = arith.constant 0 : i32
      %dma_start3A_35 = arith.constant 0 : i32
      %dma_start3A_36 = tpu.memref_slice %arg4[%add3A, %dma_start3A_34, %dma_start3A_35] : memref<32x80x128xi32, #tpu.memory_space<hbm>> -> memref<1x40x128xi32, #tpu.memory_space<hbm>>
      %dma_start3A_37 = tpu.memref_squeeze %dma_start3A_36 : memref<1x40x128xi32, #tpu.memory_space<hbm>> -> memref<40x128xi32, #tpu.memory_space<hbm>>
      %dma_start3A_38 = arith.constant 0 : i32
      %dma_start3A_39 = arith.constant 0 : i32
      %dma_start3A_40 = tpu.memref_slice %arg4[%add3A, %dma_start3A_38, %dma_start3A_39] : memref<32x80x128xi32, #tpu.memory_space<hbm>> -> memref<1x40x128xi32, #tpu.memory_space<hbm>>
      %dma_start3A_41 = tpu.memref_squeeze %dma_start3A_40 : memref<1x40x128xi32, #tpu.memory_space<hbm>> -> memref<40x128xi32, #tpu.memory_space<hbm>>
      tpu.enqueue_dma source(%dma_start3A_41 : memref<40x128xi32, #tpu.memory_space<hbm>>) target(%arg8 : memref<40x128xi32, #tpu.memory_space<vmem>>) target_semaphore(%run_scoped3A : memref<!tpu.dma_semaphore, #tpu.memory_space<semaphore_mem>>)
      %dma_wait3A = arith.constant 0 : i32
      %dma_wait3A_42 = arith.constant 0 : i32
      %dma_wait3A_43 = tpu.memref_slice %arg4[%add3A, %dma_wait3A, %dma_wait3A_42] : memref<32x80x128xi32, #tpu.memory_space<hbm>> -> memref<1x40x128xi32, #tpu.memory_space<hbm>>
      %dma_wait3A_44 = tpu.memref_squeeze %dma_wait3A_43 : memref<1x40x128xi32, #tpu.memory_space<hbm>> -> memref<40x128xi32, #tpu.memory_space<hbm>>
      %dma_wait3A_45 = arith.constant 0 : i32
      %dma_wait3A_46 = arith.constant 0 : i32
      %dma_wait3A_47 = tpu.memref_slice %arg4[%add3A, %dma_wait3A_45, %dma_wait3A_46] : memref<32x80x128xi32, #tpu.memory_space<hbm>> -> memref<1x40x128xi32, #tpu.memory_space<hbm>>
      %dma_wait3A_48 = tpu.memref_squeeze %dma_wait3A_47 : memref<1x40x128xi32, #tpu.memory_space<hbm>> -> memref<40x128xi32, #tpu.memory_space<hbm>>
      tpu.wait_dma2 semaphore(%run_scoped3A : memref<!tpu.dma_semaphore, #tpu.memory_space<semaphore_mem>>) src(%dma_wait3A_48 : memref<40x128xi32, #tpu.memory_space<hbm>>) dst(%arg8 : memref<40x128xi32, #tpu.memory_space<vmem>>)
      tpu.yield
    }) : () -> ()
    %dma_start3A = arith.constant 0 : i32
    %dma_start3A_5 = arith.constant 0 : i32
    %dma_start3A_6 = tpu.memref_slice %arg7[%dma_start3A, %dma_start3A_5] : memref<40x128xi32, #tpu.memory_space<vmem>> -> memref<1x128xi32, #tpu.memory_space<vmem>>
    %dma_start3A_7 = tpu.memref_squeeze %dma_start3A_6 : memref<1x128xi32, #tpu.memory_space<vmem>> -> memref<128xi32, #tpu.memory_space<vmem>>
    %dma_start3A_8 = arith.constant 0 : i32
    %dma_start3A_9 = arith.constant 0 : i32
    %dma_start3A_10 = tpu.memref_slice %arg2[%dma_start3A_8, %dma_start3A_9] : memref<10112x128xf32, #tpu.memory_space<hbm>> -> memref<10112x128xf32, #tpu.memory_space<hbm>>
    tpu.enqueue_indirect_dma source(%dma_start3A_10 : memref<10112x128xf32, #tpu.memory_space<hbm>>) target(%arg9 : memref<128x128xf32, #tpu.memory_space<vmem>>) offsets(%dma_start3A_7 : memref<128xi32, #tpu.memory_space<vmem>>) semaphore(%arg12 : memref<!tpu.dma_semaphore, #tpu.memory_space<semaphore_mem>>)
    %scan3A = arith.constant 0 : i32
    %scan3A_11 = arith.constant 0 : i32
    %scan3A_12 = arith.constant 20 : i32
    %scan3A_13 = arith.addi %scan3A_11, %scan3A_12 : i32
    %scan3A_14 = arith.constant 1 : i32
    scf.for %scan3A_34 = %scan3A_11 to %scan3A_13 step %scan3A_14  : i32 {
      %mul3A_35 = arith.constant 2 : i32
      %mul3A_36 = arith.muli %scan3A_34, %mul3A_35 : i32
      %add3A_37 = arith.constant 1 : i32
      %add3A_38 = arith.addi %mul3A_36, %add3A_37 : i32
      %dma_start3A_39 = arith.constant 0 : i32
      %dma_start3A_40 = tpu.memref_slice %arg7[%add3A_38, %dma_start3A_39] : memref<40x128xi32, #tpu.memory_space<vmem>> -> memref<1x128xi32, #tpu.memory_space<vmem>>
      %dma_start3A_41 = tpu.memref_squeeze %dma_start3A_40 : memref<1x128xi32, #tpu.memory_space<vmem>> -> memref<128xi32, #tpu.memory_space<vmem>>
      %dma_start3A_42 = arith.constant 0 : i32
      %dma_start3A_43 = arith.constant 0 : i32
      %dma_start3A_44 = tpu.memref_slice %arg2[%dma_start3A_42, %dma_start3A_43] : memref<10112x128xf32, #tpu.memory_space<hbm>> -> memref<10112x128xf32, #tpu.memory_space<hbm>>
      tpu.enqueue_indirect_dma source(%dma_start3A_44 : memref<10112x128xf32, #tpu.memory_space<hbm>>) target(%arg10 : memref<128x128xf32, #tpu.memory_space<vmem>>) offsets(%dma_start3A_41 : memref<128xi32, #tpu.memory_space<vmem>>) semaphore(%arg13 : memref<!tpu.dma_semaphore, #tpu.memory_space<semaphore_mem>>)
      %dma_wait3A = arith.constant 0 : i32
      %dma_wait3A_45 = tpu.memref_slice %arg7[%mul3A_36, %dma_wait3A] : memref<40x128xi32, #tpu.memory_space<vmem>> -> memref<1x128xi32, #tpu.memory_space<vmem>>
      %dma_wait3A_46 = tpu.memref_squeeze %dma_wait3A_45 : memref<1x128xi32, #tpu.memory_space<vmem>> -> memref<128xi32, #tpu.memory_space<vmem>>
      %dma_wait3A_47 = arith.constant 0 : i32
      %dma_wait3A_48 = arith.constant 0 : i32
      %dma_wait3A_49 = tpu.memref_slice %arg2[%dma_wait3A_47, %dma_wait3A_48] : memref<10112x128xf32, #tpu.memory_space<hbm>> -> memref<10112x128xf32, #tpu.memory_space<hbm>>
      tpu.wait_indirect_dma semaphore(%arg12 : memref<!tpu.dma_semaphore, #tpu.memory_space<semaphore_mem>>) src(%dma_wait3A_49 : memref<10112x128xf32, #tpu.memory_space<hbm>>) dst(%arg9 : memref<128x128xf32, #tpu.memory_space<vmem>>)
      "tpu.region"() ({
        %run_scoped3A = tpu.sem_alloc : memref<!tpu.dma_semaphore, #tpu.memory_space<semaphore_mem>>
        %dma_start3A_64 = arith.constant 0 : i32
        %dma_start3A_65 = tpu.memref_slice %arg8[%mul3A_36, %dma_start3A_64] : memref<40x128xi32, #tpu.memory_space<vmem>> -> memref<1x128xi32, #tpu.memory_space<vmem>>
        %dma_start3A_66 = tpu.memref_squeeze %dma_start3A_65 : memref<1x128xi32, #tpu.memory_space<vmem>> -> memref<128xi32, #tpu.memory_space<vmem>>
        %dma_start3A_67 = arith.constant 0 : i32
        %dma_start3A_68 = arith.constant 0 : i32
        %dma_start3A_69 = tpu.memref_slice %arg11[%dma_start3A_67, %dma_start3A_68] : memref<10112x128xf32, #tpu.memory_space<vmem_shared>> -> memref<10112x128xf32, #tpu.memory_space<vmem_shared>>
        tpu.enqueue_indirect_dma source(%arg9 : memref<128x128xf32, #tpu.memory_space<vmem>>) target(%dma_start3A_69 : memref<10112x128xf32, #tpu.memory_space<vmem_shared>>) offsets(%dma_start3A_66 : memref<128xi32, #tpu.memory_space<vmem>>) semaphore(%run_scoped3A : memref<!tpu.dma_semaphore, #tpu.memory_space<semaphore_mem>>) {add = true}
        %dma_wait3A_70 = arith.constant 0 : i32
        %dma_wait3A_71 = tpu.memref_slice %arg8[%mul3A_36, %dma_wait3A_70] : memref<40x128xi32, #tpu.memory_space<vmem>> -> memref<1x128xi32, #tpu.memory_space<vmem>>
        %dma_wait3A_72 = tpu.memref_squeeze %dma_wait3A_71 : memref<1x128xi32, #tpu.memory_space<vmem>> -> memref<128xi32, #tpu.memory_space<vmem>>
        %dma_wait3A_73 = arith.constant 0 : i32
        %dma_wait3A_74 = arith.constant 0 : i32
        %dma_wait3A_75 = tpu.memref_slice %arg11[%dma_wait3A_73, %dma_wait3A_74] : memref<10112x128xf32, #tpu.memory_space<vmem_shared>> -> memref<10112x128xf32, #tpu.memory_space<vmem_shared>>
        tpu.wait_indirect_dma semaphore(%run_scoped3A : memref<!tpu.dma_semaphore, #tpu.memory_space<semaphore_mem>>) src(%arg9 : memref<128x128xf32, #tpu.memory_space<vmem>>) dst(%dma_wait3A_75 : memref<10112x128xf32, #tpu.memory_space<vmem_shared>>)
        tpu.yield
      }) : () -> ()
      %add3A_50 = arith.constant 1 : i32
      %add3A_51 = arith.addi %scan3A_34, %add3A_50 : i32
      %lt3A = arith.constant 20 : i32
      %lt3A_52 = arith.cmpi slt, %add3A_51, %lt3A : i32
      %convert_element_type3A = arith.extui %lt3A_52 : i1 to i32
      %cond3A = arith.constant 0 : i32
      %cond3A_53 = arith.cmpi ne, %convert_element_type3A, %cond3A : i32
      scf.if %cond3A_53 {
        %add3A_64 = arith.constant 2 : i32
        %add3A_65 = arith.addi %mul3A_36, %add3A_64 : i32
        %dma_start3A_66 = arith.constant 0 : i32
        %dma_start3A_67 = tpu.memref_slice %arg7[%add3A_65, %dma_start3A_66] : memref<40x128xi32, #tpu.memory_space<vmem>> -> memref<1x128xi32, #tpu.memory_space<vmem>>
        %dma_start3A_68 = tpu.memref_squeeze %dma_start3A_67 : memref<1x128xi32, #tpu.memory_space<vmem>> -> memref<128xi32, #tpu.memory_space<vmem>>
        %dma_start3A_69 = arith.constant 0 : i32
        %dma_start3A_70 = arith.constant 0 : i32
        %dma_start3A_71 = tpu.memref_slice %arg2[%dma_start3A_69, %dma_start3A_70] : memref<10112x128xf32, #tpu.memory_space<hbm>> -> memref<10112x128xf32, #tpu.memory_space<hbm>>
        tpu.enqueue_indirect_dma source(%dma_start3A_71 : memref<10112x128xf32, #tpu.memory_space<hbm>>) target(%arg9 : memref<128x128xf32, #tpu.memory_space<vmem>>) offsets(%dma_start3A_68 : memref<128xi32, #tpu.memory_space<vmem>>) semaphore(%arg12 : memref<!tpu.dma_semaphore, #tpu.memory_space<semaphore_mem>>)
      } else {
      }
      %add3A_54 = arith.constant 1 : i32
      %add3A_55 = arith.addi %mul3A_36, %add3A_54 : i32
      %dma_wait3A_56 = arith.constant 0 : i32
      %dma_wait3A_57 = tpu.memref_slice %arg7[%add3A_55, %dma_wait3A_56] : memref<40x128xi32, #tpu.memory_space<vmem>> -> memref<1x128xi32, #tpu.memory_space<vmem>>
      %dma_wait3A_58 = tpu.memref_squeeze %dma_wait3A_57 : memref<1x128xi32, #tpu.memory_space<vmem>> -> memref<128xi32, #tpu.memory_space<vmem>>
      %dma_wait3A_59 = arith.constant 0 : i32
      %dma_wait3A_60 = arith.constant 0 : i32
      %dma_wait3A_61 = tpu.memref_slice %arg2[%dma_wait3A_59, %dma_wait3A_60] : memref<10112x128xf32, #tpu.memory_space<hbm>> -> memref<10112x128xf32, #tpu.memory_space<hbm>>
      tpu.wait_indirect_dma semaphore(%arg13 : memref<!tpu.dma_semaphore, #tpu.memory_space<semaphore_mem>>) src(%dma_wait3A_61 : memref<10112x128xf32, #tpu.memory_space<hbm>>) dst(%arg10 : memref<128x128xf32, #tpu.memory_space<vmem>>)
      %add3A_62 = arith.constant 1 : i32
      %add3A_63 = arith.addi %mul3A_36, %add3A_62 : i32
      "tpu.region"() ({
        %run_scoped3A = tpu.sem_alloc : memref<!tpu.dma_semaphore, #tpu.memory_space<semaphore_mem>>
        %dma_start3A_64 = arith.constant 0 : i32
        %dma_start3A_65 = tpu.memref_slice %arg8[%add3A_63, %dma_start3A_64] : memref<40x128xi32, #tpu.memory_space<vmem>> -> memref<1x128xi32, #tpu.memory_space<vmem>>
        %dma_start3A_66 = tpu.memref_squeeze %dma_start3A_65 : memref<1x128xi32, #tpu.memory_space<vmem>> -> memref<128xi32, #tpu.memory_space<vmem>>
        %dma_start3A_67 = arith.constant 0 : i32
        %dma_start3A_68 = arith.constant 0 : i32
        %dma_start3A_69 = tpu.memref_slice %arg11[%dma_start3A_67, %dma_start3A_68] : memref<10112x128xf32, #tpu.memory_space<vmem_shared>> -> memref<10112x128xf32, #tpu.memory_space<vmem_shared>>
        tpu.enqueue_indirect_dma source(%arg10 : memref<128x128xf32, #tpu.memory_space<vmem>>) target(%dma_start3A_69 : memref<10112x128xf32, #tpu.memory_space<vmem_shared>>) offsets(%dma_start3A_66 : memref<128xi32, #tpu.memory_space<vmem>>) semaphore(%run_scoped3A : memref<!tpu.dma_semaphore, #tpu.memory_space<semaphore_mem>>) {add = true}
        %dma_wait3A_70 = arith.constant 0 : i32
        %dma_wait3A_71 = tpu.memref_slice %arg8[%add3A_63, %dma_wait3A_70] : memref<40x128xi32, #tpu.memory_space<vmem>> -> memref<1x128xi32, #tpu.memory_space<vmem>>
        %dma_wait3A_72 = tpu.memref_squeeze %dma_wait3A_71 : memref<1x128xi32, #tpu.memory_space<vmem>> -> memref<128xi32, #tpu.memory_space<vmem>>
        %dma_wait3A_73 = arith.constant 0 : i32
        %dma_wait3A_74 = arith.constant 0 : i32
        %dma_wait3A_75 = tpu.memref_slice %arg11[%dma_wait3A_73, %dma_wait3A_74] : memref<10112x128xf32, #tpu.memory_space<vmem_shared>> -> memref<10112x128xf32, #tpu.memory_space<vmem_shared>>
        tpu.wait_indirect_dma semaphore(%run_scoped3A : memref<!tpu.dma_semaphore, #tpu.memory_space<semaphore_mem>>) src(%arg10 : memref<128x128xf32, #tpu.memory_space<vmem>>) dst(%dma_wait3A_75 : memref<10112x128xf32, #tpu.memory_space<vmem_shared>>)
        tpu.yield
      }) : () -> ()
    }
    %scan3A_15 = arith.constant 20 : i32
    "tpu.region"() ({
      %run_scoped3A = tpu.sem_alloc : memref<!tpu.dma_semaphore, #tpu.memory_space<semaphore_mem>>
      %dma_start3A_34 = arith.constant 40 : i32
      %dma_start3A_35 = arith.constant 0 : i32
      %dma_start3A_36 = tpu.memref_slice %arg3[%add3A, %dma_start3A_34, %dma_start3A_35] : memref<32x80x128xi32, #tpu.memory_space<hbm>> -> memref<1x40x128xi32, #tpu.memory_space<hbm>>
      %dma_start3A_37 = tpu.memref_squeeze %dma_start3A_36 : memref<1x40x128xi32, #tpu.memory_space<hbm>> -> memref<40x128xi32, #tpu.memory_space<hbm>>
      %dma_start3A_38 = arith.constant 40 : i32
      %dma_start3A_39 = arith.constant 0 : i32
      %dma_start3A_40 = tpu.memref_slice %arg3[%add3A, %dma_start3A_38, %dma_start3A_39] : memref<32x80x128xi32, #tpu.memory_space<hbm>> -> memref<1x40x128xi32, #tpu.memory_space<hbm>>
      %dma_start3A_41 = tpu.memref_squeeze %dma_start3A_40 : memref<1x40x128xi32, #tpu.memory_space<hbm>> -> memref<40x128xi32, #tpu.memory_space<hbm>>
      tpu.enqueue_dma source(%dma_start3A_41 : memref<40x128xi32, #tpu.memory_space<hbm>>) target(%arg7 : memref<40x128xi32, #tpu.memory_space<vmem>>) target_semaphore(%run_scoped3A : memref<!tpu.dma_semaphore, #tpu.memory_space<semaphore_mem>>)
      %dma_wait3A = arith.constant 40 : i32
      %dma_wait3A_42 = arith.constant 0 : i32
      %dma_wait3A_43 = tpu.memref_slice %arg3[%add3A, %dma_wait3A, %dma_wait3A_42] : memref<32x80x128xi32, #tpu.memory_space<hbm>> -> memref<1x40x128xi32, #tpu.memory_space<hbm>>
      %dma_wait3A_44 = tpu.memref_squeeze %dma_wait3A_43 : memref<1x40x128xi32, #tpu.memory_space<hbm>> -> memref<40x128xi32, #tpu.memory_space<hbm>>
      %dma_wait3A_45 = arith.constant 40 : i32
      %dma_wait3A_46 = arith.constant 0 : i32
      %dma_wait3A_47 = tpu.memref_slice %arg3[%add3A, %dma_wait3A_45, %dma_wait3A_46] : memref<32x80x128xi32, #tpu.memory_space<hbm>> -> memref<1x40x128xi32, #tpu.memory_space<hbm>>
      %dma_wait3A_48 = tpu.memref_squeeze %dma_wait3A_47 : memref<1x40x128xi32, #tpu.memory_space<hbm>> -> memref<40x128xi32, #tpu.memory_space<hbm>>
      tpu.wait_dma2 semaphore(%run_scoped3A : memref<!tpu.dma_semaphore, #tpu.memory_space<semaphore_mem>>) src(%dma_wait3A_48 : memref<40x128xi32, #tpu.memory_space<hbm>>) dst(%arg7 : memref<40x128xi32, #tpu.memory_space<vmem>>)
      tpu.yield
    }) : () -> ()
    "tpu.region"() ({
      %run_scoped3A = tpu.sem_alloc : memref<!tpu.dma_semaphore, #tpu.memory_space<semaphore_mem>>
      %dma_start3A_34 = arith.constant 40 : i32
      %dma_start3A_35 = arith.constant 0 : i32
      %dma_start3A_36 = tpu.memref_slice %arg4[%add3A, %dma_start3A_34, %dma_start3A_35] : memref<32x80x128xi32, #tpu.memory_space<hbm>> -> memref<1x40x128xi32, #tpu.memory_space<hbm>>
      %dma_start3A_37 = tpu.memref_squeeze %dma_start3A_36 : memref<1x40x128xi32, #tpu.memory_space<hbm>> -> memref<40x128xi32, #tpu.memory_space<hbm>>
      %dma_start3A_38 = arith.constant 40 : i32
      %dma_start3A_39 = arith.constant 0 : i32
      %dma_start3A_40 = tpu.memref_slice %arg4[%add3A, %dma_start3A_38, %dma_start3A_39] : memref<32x80x128xi32, #tpu.memory_space<hbm>> -> memref<1x40x128xi32, #tpu.memory_space<hbm>>
      %dma_start3A_41 = tpu.memref_squeeze %dma_start3A_40 : memref<1x40x128xi32, #tpu.memory_space<hbm>> -> memref<40x128xi32, #tpu.memory_space<hbm>>
      tpu.enqueue_dma source(%dma_start3A_41 : memref<40x128xi32, #tpu.memory_space<hbm>>) target(%arg8 : memref<40x128xi32, #tpu.memory_space<vmem>>) target_semaphore(%run_scoped3A : memref<!tpu.dma_semaphore, #tpu.memory_space<semaphore_mem>>)
      %dma_wait3A = arith.constant 40 : i32
      %dma_wait3A_42 = arith.constant 0 : i32
      %dma_wait3A_43 = tpu.memref_slice %arg4[%add3A, %dma_wait3A, %dma_wait3A_42] : memref<32x80x128xi32, #tpu.memory_space<hbm>> -> memref<1x40x128xi32, #tpu.memory_space<hbm>>
      %dma_wait3A_44 = tpu.memref_squeeze %dma_wait3A_43 : memref<1x40x128xi32, #tpu.memory_space<hbm>> -> memref<40x128xi32, #tpu.memory_space<hbm>>
      %dma_wait3A_45 = arith.constant 40 : i32
      %dma_wait3A_46 = arith.constant 0 : i32
      %dma_wait3A_47 = tpu.memref_slice %arg4[%add3A, %dma_wait3A_45, %dma_wait3A_46] : memref<32x80x128xi32, #tpu.memory_space<hbm>> -> memref<1x40x128xi32, #tpu.memory_space<hbm>>
      %dma_wait3A_48 = tpu.memref_squeeze %dma_wait3A_47 : memref<1x40x128xi32, #tpu.memory_space<hbm>> -> memref<40x128xi32, #tpu.memory_space<hbm>>
      tpu.wait_dma2 semaphore(%run_scoped3A : memref<!tpu.dma_semaphore, #tpu.memory_space<semaphore_mem>>) src(%dma_wait3A_48 : memref<40x128xi32, #tpu.memory_space<hbm>>) dst(%arg8 : memref<40x128xi32, #tpu.memory_space<vmem>>)
      tpu.yield
    }) : () -> ()
    %dma_start3A_16 = arith.constant 0 : i32
    %dma_start3A_17 = arith.constant 0 : i32
    %dma_start3A_18 = tpu.memref_slice %arg7[%dma_start3A_16, %dma_start3A_17] : memref<40x128xi32, #tpu.memory_space<vmem>> -> memref<1x128xi32, #tpu.memory_space<vmem>>
    %dma_start3A_19 = tpu.memref_squeeze %dma_start3A_18 : memref<1x128xi32, #tpu.memory_space<vmem>> -> memref<128xi32, #tpu.memory_space<vmem>>
    %dma_start3A_20 = arith.constant 0 : i32
    %dma_start3A_21 = arith.constant 0 : i32
    %dma_start3A_22 = tpu.memref_slice %arg2[%dma_start3A_20, %dma_start3A_21] : memref<10112x128xf32, #tpu.memory_space<hbm>> -> memref<10112x128xf32, #tpu.memory_space<hbm>>
    tpu.enqueue_indirect_dma source(%dma_start3A_22 : memref<10112x128xf32, #tpu.memory_space<hbm>>) target(%arg9 : memref<128x128xf32, #tpu.memory_space<vmem>>) offsets(%dma_start3A_19 : memref<128xi32, #tpu.memory_space<vmem>>) semaphore(%arg12 : memref<!tpu.dma_semaphore, #tpu.memory_space<semaphore_mem>>)
    %scan3A_23 = arith.constant 0 : i32
    %scan3A_24 = arith.constant 0 : i32
    %scan3A_25 = arith.constant 20 : i32
    %scan3A_26 = arith.addi %scan3A_24, %scan3A_25 : i32
    %scan3A_27 = arith.constant 1 : i32
    scf.for %scan3A_34 = %scan3A_24 to %scan3A_26 step %scan3A_27  : i32 {
      %mul3A_35 = arith.constant 2 : i32
      %mul3A_36 = arith.muli %scan3A_34, %mul3A_35 : i32
      %add3A_37 = arith.constant 1 : i32
      %add3A_38 = arith.addi %mul3A_36, %add3A_37 : i32
      %dma_start3A_39 = arith.constant 0 : i32
      %dma_start3A_40 = tpu.memref_slice %arg7[%add3A_38, %dma_start3A_39] : memref<40x128xi32, #tpu.memory_space<vmem>> -> memref<1x128xi32, #tpu.memory_space<vmem>>
      %dma_start3A_41 = tpu.memref_squeeze %dma_start3A_40 : memref<1x128xi32, #tpu.memory_space<vmem>> -> memref<128xi32, #tpu.memory_space<vmem>>
      %dma_start3A_42 = arith.constant 0 : i32
      %dma_start3A_43 = arith.constant 0 : i32
      %dma_start3A_44 = tpu.memref_slice %arg2[%dma_start3A_42, %dma_start3A_43] : memref<10112x128xf32, #tpu.memory_space<hbm>> -> memref<10112x128xf32, #tpu.memory_space<hbm>>
      tpu.enqueue_indirect_dma source(%dma_start3A_44 : memref<10112x128xf32, #tpu.memory_space<hbm>>) target(%arg10 : memref<128x128xf32, #tpu.memory_space<vmem>>) offsets(%dma_start3A_41 : memref<128xi32, #tpu.memory_space<vmem>>) semaphore(%arg13 : memref<!tpu.dma_semaphore, #tpu.memory_space<semaphore_mem>>)
      %dma_wait3A = arith.constant 0 : i32
      %dma_wait3A_45 = tpu.memref_slice %arg7[%mul3A_36, %dma_wait3A] : memref<40x128xi32, #tpu.memory_space<vmem>> -> memref<1x128xi32, #tpu.memory_space<vmem>>
      %dma_wait3A_46 = tpu.memref_squeeze %dma_wait3A_45 : memref<1x128xi32, #tpu.memory_space<vmem>> -> memref<128xi32, #tpu.memory_space<vmem>>
      %dma_wait3A_47 = arith.constant 0 : i32
      %dma_wait3A_48 = arith.constant 0 : i32
      %dma_wait3A_49 = tpu.memref_slice %arg2[%dma_wait3A_47, %dma_wait3A_48] : memref<10112x128xf32, #tpu.memory_space<hbm>> -> memref<10112x128xf32, #tpu.memory_space<hbm>>
      tpu.wait_indirect_dma semaphore(%arg12 : memref<!tpu.dma_semaphore, #tpu.memory_space<semaphore_mem>>) src(%dma_wait3A_49 : memref<10112x128xf32, #tpu.memory_space<hbm>>) dst(%arg9 : memref<128x128xf32, #tpu.memory_space<vmem>>)
      "tpu.region"() ({
        %run_scoped3A = tpu.sem_alloc : memref<!tpu.dma_semaphore, #tpu.memory_space<semaphore_mem>>
        %dma_start3A_64 = arith.constant 0 : i32
        %dma_start3A_65 = tpu.memref_slice %arg8[%mul3A_36, %dma_start3A_64] : memref<40x128xi32, #tpu.memory_space<vmem>> -> memref<1x128xi32, #tpu.memory_space<vmem>>
        %dma_start3A_66 = tpu.memref_squeeze %dma_start3A_65 : memref<1x128xi32, #tpu.memory_space<vmem>> -> memref<128xi32, #tpu.memory_space<vmem>>
        %dma_start3A_67 = arith.constant 0 : i32
        %dma_start3A_68 = arith.constant 0 : i32
        %dma_start3A_69 = tpu.memref_slice %arg11[%dma_start3A_67, %dma_start3A_68] : memref<10112x128xf32, #tpu.memory_space<vmem_shared>> -> memref<10112x128xf32, #tpu.memory_space<vmem_shared>>
        tpu.enqueue_indirect_dma source(%arg9 : memref<128x128xf32, #tpu.memory_space<vmem>>) target(%dma_start3A_69 : memref<10112x128xf32, #tpu.memory_space<vmem_shared>>) offsets(%dma_start3A_66 : memref<128xi32, #tpu.memory_space<vmem>>) semaphore(%run_scoped3A : memref<!tpu.dma_semaphore, #tpu.memory_space<semaphore_mem>>) {add = true}
        %dma_wait3A_70 = arith.constant 0 : i32
        %dma_wait3A_71 = tpu.memref_slice %arg8[%mul3A_36, %dma_wait3A_70] : memref<40x128xi32, #tpu.memory_space<vmem>> -> memref<1x128xi32, #tpu.memory_space<vmem>>
        %dma_wait3A_72 = tpu.memref_squeeze %dma_wait3A_71 : memref<1x128xi32, #tpu.memory_space<vmem>> -> memref<128xi32, #tpu.memory_space<vmem>>
        %dma_wait3A_73 = arith.constant 0 : i32
        %dma_wait3A_74 = arith.constant 0 : i32
        %dma_wait3A_75 = tpu.memref_slice %arg11[%dma_wait3A_73, %dma_wait3A_74] : memref<10112x128xf32, #tpu.memory_space<vmem_shared>> -> memref<10112x128xf32, #tpu.memory_space<vmem_shared>>
        tpu.wait_indirect_dma semaphore(%run_scoped3A : memref<!tpu.dma_semaphore, #tpu.memory_space<semaphore_mem>>) src(%arg9 : memref<128x128xf32, #tpu.memory_space<vmem>>) dst(%dma_wait3A_75 : memref<10112x128xf32, #tpu.memory_space<vmem_shared>>)
        tpu.yield
      }) : () -> ()
      %add3A_50 = arith.constant 1 : i32
      %add3A_51 = arith.addi %scan3A_34, %add3A_50 : i32
      %lt3A = arith.constant 20 : i32
      %lt3A_52 = arith.cmpi slt, %add3A_51, %lt3A : i32
      %convert_element_type3A = arith.extui %lt3A_52 : i1 to i32
      %cond3A = arith.constant 0 : i32
      %cond3A_53 = arith.cmpi ne, %convert_element_type3A, %cond3A : i32
      scf.if %cond3A_53 {
        %add3A_64 = arith.constant 2 : i32
        %add3A_65 = arith.addi %mul3A_36, %add3A_64 : i32
        %dma_start3A_66 = arith.constant 0 : i32
        %dma_start3A_67 = tpu.memref_slice %arg7[%add3A_65, %dma_start3A_66] : memref<40x128xi32, #tpu.memory_space<vmem>> -> memref<1x128xi32, #tpu.memory_space<vmem>>
        %dma_start3A_68 = tpu.memref_squeeze %dma_start3A_67 : memref<1x128xi32, #tpu.memory_space<vmem>> -> memref<128xi32, #tpu.memory_space<vmem>>
        %dma_start3A_69 = arith.constant 0 : i32
        %dma_start3A_70 = arith.constant 0 : i32
        %dma_start3A_71 = tpu.memref_slice %arg2[%dma_start3A_69, %dma_start3A_70] : memref<10112x128xf32, #tpu.memory_space<hbm>> -> memref<10112x128xf32, #tpu.memory_space<hbm>>
        tpu.enqueue_indirect_dma source(%dma_start3A_71 : memref<10112x128xf32, #tpu.memory_space<hbm>>) target(%arg9 : memref<128x128xf32, #tpu.memory_space<vmem>>) offsets(%dma_start3A_68 : memref<128xi32, #tpu.memory_space<vmem>>) semaphore(%arg12 : memref<!tpu.dma_semaphore, #tpu.memory_space<semaphore_mem>>)
      } else {
      }
      %add3A_54 = arith.constant 1 : i32
      %add3A_55 = arith.addi %mul3A_36, %add3A_54 : i32
      %dma_wait3A_56 = arith.constant 0 : i32
      %dma_wait3A_57 = tpu.memref_slice %arg7[%add3A_55, %dma_wait3A_56] : memref<40x128xi32, #tpu.memory_space<vmem>> -> memref<1x128xi32, #tpu.memory_space<vmem>>
      %dma_wait3A_58 = tpu.memref_squeeze %dma_wait3A_57 : memref<1x128xi32, #tpu.memory_space<vmem>> -> memref<128xi32, #tpu.memory_space<vmem>>
      %dma_wait3A_59 = arith.constant 0 : i32
      %dma_wait3A_60 = arith.constant 0 : i32
      %dma_wait3A_61 = tpu.memref_slice %arg2[%dma_wait3A_59, %dma_wait3A_60] : memref<10112x128xf32, #tpu.memory_space<hbm>> -> memref<10112x128xf32, #tpu.memory_space<hbm>>
      tpu.wait_indirect_dma semaphore(%arg13 : memref<!tpu.dma_semaphore, #tpu.memory_space<semaphore_mem>>) src(%dma_wait3A_61 : memref<10112x128xf32, #tpu.memory_space<hbm>>) dst(%arg10 : memref<128x128xf32, #tpu.memory_space<vmem>>)
      %add3A_62 = arith.constant 1 : i32
      %add3A_63 = arith.addi %mul3A_36, %add3A_62 : i32
      "tpu.region"() ({
        %run_scoped3A = tpu.sem_alloc : memref<!tpu.dma_semaphore, #tpu.memory_space<semaphore_mem>>
        %dma_start3A_64 = arith.constant 0 : i32
        %dma_start3A_65 = tpu.memref_slice %arg8[%add3A_63, %dma_start3A_64] : memref<40x128xi32, #tpu.memory_space<vmem>> -> memref<1x128xi32, #tpu.memory_space<vmem>>
        %dma_start3A_66 = tpu.memref_squeeze %dma_start3A_65 : memref<1x128xi32, #tpu.memory_space<vmem>> -> memref<128xi32, #tpu.memory_space<vmem>>
        %dma_start3A_67 = arith.constant 0 : i32
        %dma_start3A_68 = arith.constant 0 : i32
        %dma_start3A_69 = tpu.memref_slice %arg11[%dma_start3A_67, %dma_start3A_68] : memref<10112x128xf32, #tpu.memory_space<vmem_shared>> -> memref<10112x128xf32, #tpu.memory_space<vmem_shared>>
        tpu.enqueue_indirect_dma source(%arg10 : memref<128x128xf32, #tpu.memory_space<vmem>>) target(%dma_start3A_69 : memref<10112x128xf32, #tpu.memory_space<vmem_shared>>) offsets(%dma_start3A_66 : memref<128xi32, #tpu.memory_space<vmem>>) semaphore(%run_scoped3A : memref<!tpu.dma_semaphore, #tpu.memory_space<semaphore_mem>>) {add = true}
        %dma_wait3A_70 = arith.constant 0 : i32
        %dma_wait3A_71 = tpu.memref_slice %arg8[%add3A_63, %dma_wait3A_70] : memref<40x128xi32, #tpu.memory_space<vmem>> -> memref<1x128xi32, #tpu.memory_space<vmem>>
        %dma_wait3A_72 = tpu.memref_squeeze %dma_wait3A_71 : memref<1x128xi32, #tpu.memory_space<vmem>> -> memref<128xi32, #tpu.memory_space<vmem>>
        %dma_wait3A_73 = arith.constant 0 : i32
        %dma_wait3A_74 = arith.constant 0 : i32
        %dma_wait3A_75 = tpu.memref_slice %arg11[%dma_wait3A_73, %dma_wait3A_74] : memref<10112x128xf32, #tpu.memory_space<vmem_shared>> -> memref<10112x128xf32, #tpu.memory_space<vmem_shared>>
        tpu.wait_indirect_dma semaphore(%run_scoped3A : memref<!tpu.dma_semaphore, #tpu.memory_space<semaphore_mem>>) src(%arg10 : memref<128x128xf32, #tpu.memory_space<vmem>>) dst(%dma_wait3A_75 : memref<10112x128xf32, #tpu.memory_space<vmem_shared>>)
        tpu.yield
      }) : () -> ()
    }
    %scan3A_28 = arith.constant 20 : i32
    %barrier3A_29 = arith.constant 0 : index
    tpu.barrier barrier_id(%barrier3A_29)
    %mul3A_30 = arith.constant 632 : i32
    %mul3A_31 = arith.muli %arg1, %mul3A_30 : i32
    %mul3A_32 = arith.constant 632 : i32
    %mul3A_33 = arith.muli %arg1, %mul3A_32 : i32
    "tpu.region"() ({
      %run_scoped3A = tpu.sem_alloc : memref<!tpu.dma_semaphore, #tpu.memory_space<semaphore_mem>>
      %dma_start3A_34 = arith.constant 0 : i32
      %dma_start3A_35 = tpu.memref_slice %arg6[%arg0, %mul3A_33, %dma_start3A_34] : memref<2x10112x128xf32, #tpu.memory_space<hbm>> -> memref<1x632x128xf32, #tpu.memory_space<hbm>>
      %dma_start3A_36 = tpu.memref_squeeze %dma_start3A_35 : memref<1x632x128xf32, #tpu.memory_space<hbm>> -> memref<632x128xf32, #tpu.memory_space<hbm>>
      %dma_start3A_37 = arith.constant 0 : i32
      %dma_start3A_38 = tpu.memref_slice %arg11[%mul3A_31, %dma_start3A_37] : memref<10112x128xf32, #tpu.memory_space<vmem_shared>> -> memref<632x128xf32, #tpu.memory_space<vmem_shared>>
      tpu.enqueue_dma source(%dma_start3A_38 : memref<632x128xf32, #tpu.memory_space<vmem_shared>>) target(%dma_start3A_36 : memref<632x128xf32, #tpu.memory_space<hbm>>) target_semaphore(%run_scoped3A : memref<!tpu.dma_semaphore, #tpu.memory_space<semaphore_mem>>)
      %dma_wait3A = arith.constant 0 : i32
      %dma_wait3A_39 = tpu.memref_slice %arg6[%arg0, %mul3A_33, %dma_wait3A] : memref<2x10112x128xf32, #tpu.memory_space<hbm>> -> memref<1x632x128xf32, #tpu.memory_space<hbm>>
      %dma_wait3A_40 = tpu.memref_squeeze %dma_wait3A_39 : memref<1x632x128xf32, #tpu.memory_space<hbm>> -> memref<632x128xf32, #tpu.memory_space<hbm>>
      %dma_wait3A_41 = arith.constant 0 : i32
      %dma_wait3A_42 = tpu.memref_slice %arg11[%mul3A_31, %dma_wait3A_41] : memref<10112x128xf32, #tpu.memory_space<vmem_shared>> -> memref<632x128xf32, #tpu.memory_space<vmem_shared>>
      tpu.wait_dma2 semaphore(%run_scoped3A : memref<!tpu.dma_semaphore, #tpu.memory_space<semaphore_mem>>) src(%dma_wait3A_42 : memref<632x128xf32, #tpu.memory_space<vmem_shared>>) dst(%dma_wait3A_40 : memref<632x128xf32, #tpu.memory_space<hbm>>)
      tpu.yield
    }) : () -> ()
    return
  }
}

#map = affine_map<(d0, d1) -> (0, 0)>
#map1 = affine_map<(d0, d1) -> (0, 0, 0)>
module attributes {stable_mosaic.version = 14 : i64} {
  func.func @_segsum(%arg0: i32, %arg1: i32, %arg2: memref<10112x128xf32, #tpu.memory_space<hbm>>, %arg3: memref<32x80x128xi32, #tpu.memory_space<hbm>>, %arg4: memref<32x80x128xi32, #tpu.memory_space<hbm>>, %arg5: memref<10112x128xf32, #tpu.memory_space<hbm>>, %arg6: memref<2x10112x128xf32, #tpu.memory_space<hbm>>, %arg7: memref<40x128xi32, #tpu.memory_space<vmem>>, %arg8: memref<40x128xi32, #tpu.memory_space<vmem>>, %arg9: memref<128x128xf32, #tpu.memory_space<vmem>>, %arg10: memref<128x128xf32, #tpu.memory_space<vmem>>, %arg11: memref<10112x128xf32, #tpu.memory_space<vmem_shared>>, %arg12: memref<!tpu.dma_semaphore, #tpu.memory_space<semaphore_mem>>, %arg13: memref<!tpu.dma_semaphore, #tpu.memory_space<semaphore_mem>>) attributes {dimension_semantics = [#tpu.dimension_semantics<core_parallel>, #tpu.dimension_semantics<subcore_parallel>], iteration_bounds = array<i64: 2, 16>, scalar_prefetch = 0 : i64, scratch_operands = 7 : i64, tpu.core_type = #tpu.core_type<sc_vector_subcore>, window_params = [{transform_indices = #map}, {transform_indices = #map1}, {transform_indices = #map1}, {transform_indices = #map}, {transform_indices = #map1}]} {
    %mul3A = arith.constant 16 : i32
    %mul3A_0 = arith.muli %arg0, %mul3A : i32
    %add3A = arith.addi %mul3A_0, %arg1 : i32
    %mul3A_1 = arith.constant 632 : i32
    %mul3A_2 = arith.muli %arg1, %mul3A_1 : i32
    %mul3A_3 = arith.constant 632 : i32
    %mul3A_4 = arith.muli %arg1, %mul3A_3 : i32
    "tpu.region"() ({
      %run_scoped3A = tpu.sem_alloc : memref<!tpu.dma_semaphore, #tpu.memory_space<semaphore_mem>>
      %dma_start3A_34 = arith.constant 0 : i32
      %dma_start3A_35 = tpu.memref_slice %arg11[%mul3A_4, %dma_start3A_34] : memref<10112x128xf32, #tpu.memory_space<vmem_shared>> -> memref<632x128xf32, #tpu.memory_space<vmem_shared>>
      %dma_start3A_36 = arith.constant 0 : i32
      %dma_start3A_37 = tpu.memref_slice %arg5[%mul3A_2, %dma_start3A_36] : memref<10112x128xf32, #tpu.memory_space<hbm>> -> memref<632x128xf32, #tpu.memory_space<hbm>>
      tpu.enqueue_dma source(%dma_start3A_37 : memref<632x128xf32, #tpu.memory_space<hbm>>) target(%dma_start3A_35 : memref<632x128xf32, #tpu.memory_space<vmem_shared>>) target_semaphore(%run_scoped3A : memref<!tpu.dma_semaphore, #tpu.memory_space<semaphore_mem>>)
      %dma_wait3A = arith.constant 0 : i32
      %dma_wait3A_38 = tpu.memref_slice %arg11[%mul3A_4, %dma_wait3A] : memref<10112x128xf32, #tpu.memory_space<vmem_shared>> -> memref<632x128xf32, #tpu.memory_space<vmem_shared>>
      %dma_wait3A_39 = arith.constant 0 : i32
      %dma_wait3A_40 = tpu.memref_slice %arg5[%mul3A_2, %dma_wait3A_39] : memref<10112x128xf32, #tpu.memory_space<hbm>> -> memref<632x128xf32, #tpu.memory_space<hbm>>
      tpu.wait_dma2 semaphore(%run_scoped3A : memref<!tpu.dma_semaphore, #tpu.memory_space<semaphore_mem>>) src(%dma_wait3A_40 : memref<632x128xf32, #tpu.memory_space<hbm>>) dst(%dma_wait3A_38 : memref<632x128xf32, #tpu.memory_space<vmem_shared>>)
      tpu.yield
    }) : () -> ()
    %barrier3A = arith.constant 0 : index
    tpu.barrier barrier_id(%barrier3A)
    "tpu.region"() ({
      %run_scoped3A = tpu.sem_alloc : memref<!tpu.dma_semaphore, #tpu.memory_space<semaphore_mem>>
      %dma_start3A_34 = arith.constant 0 : i32
      %dma_start3A_35 = arith.constant 0 : i32
      %dma_start3A_36 = tpu.memref_slice %arg3[%add3A, %dma_start3A_34, %dma_start3A_35] : memref<32x80x128xi32, #tpu.memory_space<hbm>> -> memref<1x40x128xi32, #tpu.memory_space<hbm>>
      %dma_start3A_37 = tpu.memref_squeeze %dma_start3A_36 : memref<1x40x128xi32, #tpu.memory_space<hbm>> -> memref<40x128xi32, #tpu.memory_space<hbm>>
      %dma_start3A_38 = arith.constant 0 : i32
      %dma_start3A_39 = arith.constant 0 : i32
      %dma_start3A_40 = tpu.memref_slice %arg3[%add3A, %dma_start3A_38, %dma_start3A_39] : memref<32x80x128xi32, #tpu.memory_space<hbm>> -> memref<1x40x128xi32, #tpu.memory_space<hbm>>
      %dma_start3A_41 = tpu.memref_squeeze %dma_start3A_40 : memref<1x40x128xi32, #tpu.memory_space<hbm>> -> memref<40x128xi32, #tpu.memory_space<hbm>>
      tpu.enqueue_dma source(%dma_start3A_41 : memref<40x128xi32, #tpu.memory_space<hbm>>) target(%arg7 : memref<40x128xi32, #tpu.memory_space<vmem>>) target_semaphore(%run_scoped3A : memref<!tpu.dma_semaphore, #tpu.memory_space<semaphore_mem>>)
      %dma_wait3A = arith.constant 0 : i32
      %dma_wait3A_42 = arith.constant 0 : i32
      %dma_wait3A_43 = tpu.memref_slice %arg3[%add3A, %dma_wait3A, %dma_wait3A_42] : memref<32x80x128xi32, #tpu.memory_space<hbm>> -> memref<1x40x128xi32, #tpu.memory_space<hbm>>
      %dma_wait3A_44 = tpu.memref_squeeze %dma_wait3A_43 : memref<1x40x128xi32, #tpu.memory_space<hbm>> -> memref<40x128xi32, #tpu.memory_space<hbm>>
      %dma_wait3A_45 = arith.constant 0 : i32
      %dma_wait3A_46 = arith.constant 0 : i32
      %dma_wait3A_47 = tpu.memref_slice %arg3[%add3A, %dma_wait3A_45, %dma_wait3A_46] : memref<32x80x128xi32, #tpu.memory_space<hbm>> -> memref<1x40x128xi32, #tpu.memory_space<hbm>>
      %dma_wait3A_48 = tpu.memref_squeeze %dma_wait3A_47 : memref<1x40x128xi32, #tpu.memory_space<hbm>> -> memref<40x128xi32, #tpu.memory_space<hbm>>
      tpu.wait_dma2 semaphore(%run_scoped3A : memref<!tpu.dma_semaphore, #tpu.memory_space<semaphore_mem>>) src(%dma_wait3A_48 : memref<40x128xi32, #tpu.memory_space<hbm>>) dst(%arg7 : memref<40x128xi32, #tpu.memory_space<vmem>>)
      tpu.yield
    }) : () -> ()
    "tpu.region"() ({
      %run_scoped3A = tpu.sem_alloc : memref<!tpu.dma_semaphore, #tpu.memory_space<semaphore_mem>>
      %dma_start3A_34 = arith.constant 0 : i32
      %dma_start3A_35 = arith.constant 0 : i32
      %dma_start3A_36 = tpu.memref_slice %arg4[%add3A, %dma_start3A_34, %dma_start3A_35] : memref<32x80x128xi32, #tpu.memory_space<hbm>> -> memref<1x40x128xi32, #tpu.memory_space<hbm>>
      %dma_start3A_37 = tpu.memref_squeeze %dma_start3A_36 : memref<1x40x128xi32, #tpu.memory_space<hbm>> -> memref<40x128xi32, #tpu.memory_space<hbm>>
      %dma_start3A_38 = arith.constant 0 : i32
      %dma_start3A_39 = arith.constant 0 : i32
      %dma_start3A_40 = tpu.memref_slice %arg4[%add3A, %dma_start3A_38, %dma_start3A_39] : memref<32x80x128xi32, #tpu.memory_space<hbm>> -> memref<1x40x128xi32, #tpu.memory_space<hbm>>
      %dma_start3A_41 = tpu.memref_squeeze %dma_start3A_40 : memref<1x40x128xi32, #tpu.memory_space<hbm>> -> memref<40x128xi32, #tpu.memory_space<hbm>>
      tpu.enqueue_dma source(%dma_start3A_41 : memref<40x128xi32, #tpu.memory_space<hbm>>) target(%arg8 : memref<40x128xi32, #tpu.memory_space<vmem>>) target_semaphore(%run_scoped3A : memref<!tpu.dma_semaphore, #tpu.memory_space<semaphore_mem>>)
      %dma_wait3A = arith.constant 0 : i32
      %dma_wait3A_42 = arith.constant 0 : i32
      %dma_wait3A_43 = tpu.memref_slice %arg4[%add3A, %dma_wait3A, %dma_wait3A_42] : memref<32x80x128xi32, #tpu.memory_space<hbm>> -> memref<1x40x128xi32, #tpu.memory_space<hbm>>
      %dma_wait3A_44 = tpu.memref_squeeze %dma_wait3A_43 : memref<1x40x128xi32, #tpu.memory_space<hbm>> -> memref<40x128xi32, #tpu.memory_space<hbm>>
      %dma_wait3A_45 = arith.constant 0 : i32
      %dma_wait3A_46 = arith.constant 0 : i32
      %dma_wait3A_47 = tpu.memref_slice %arg4[%add3A, %dma_wait3A_45, %dma_wait3A_46] : memref<32x80x128xi32, #tpu.memory_space<hbm>> -> memref<1x40x128xi32, #tpu.memory_space<hbm>>
      %dma_wait3A_48 = tpu.memref_squeeze %dma_wait3A_47 : memref<1x40x128xi32, #tpu.memory_space<hbm>> -> memref<40x128xi32, #tpu.memory_space<hbm>>
      tpu.wait_dma2 semaphore(%run_scoped3A : memref<!tpu.dma_semaphore, #tpu.memory_space<semaphore_mem>>) src(%dma_wait3A_48 : memref<40x128xi32, #tpu.memory_space<hbm>>) dst(%arg8 : memref<40x128xi32, #tpu.memory_space<vmem>>)
      tpu.yield
    }) : () -> ()
    %dma_start3A = arith.constant 0 : i32
    %dma_start3A_5 = arith.constant 0 : i32
    %dma_start3A_6 = tpu.memref_slice %arg7[%dma_start3A, %dma_start3A_5] : memref<40x128xi32, #tpu.memory_space<vmem>> -> memref<1x128xi32, #tpu.memory_space<vmem>>
    %dma_start3A_7 = tpu.memref_squeeze %dma_start3A_6 : memref<1x128xi32, #tpu.memory_space<vmem>> -> memref<128xi32, #tpu.memory_space<vmem>>
    %dma_start3A_8 = arith.constant 0 : i32
    %dma_start3A_9 = arith.constant 0 : i32
    %dma_start3A_10 = tpu.memref_slice %arg2[%dma_start3A_8, %dma_start3A_9] : memref<10112x128xf32, #tpu.memory_space<hbm>> -> memref<10112x128xf32, #tpu.memory_space<hbm>>
    tpu.enqueue_indirect_dma source(%dma_start3A_10 : memref<10112x128xf32, #tpu.memory_space<hbm>>) target(%arg9 : memref<128x128xf32, #tpu.memory_space<vmem>>) offsets(%dma_start3A_7 : memref<128xi32, #tpu.memory_space<vmem>>) semaphore(%arg12 : memref<!tpu.dma_semaphore, #tpu.memory_space<semaphore_mem>>)
    %scan3A = arith.constant 0 : i32
    %scan3A_11 = arith.constant 0 : i32
    %scan3A_12 = arith.constant 20 : i32
    %scan3A_13 = arith.addi %scan3A_11, %scan3A_12 : i32
    %scan3A_14 = arith.constant 1 : i32
    scf.for %scan3A_34 = %scan3A_11 to %scan3A_13 step %scan3A_14  : i32 {
      %mul3A_35 = arith.constant 2 : i32
      %mul3A_36 = arith.muli %scan3A_34, %mul3A_35 : i32
      %add3A_37 = arith.constant 1 : i32
      %add3A_38 = arith.addi %mul3A_36, %add3A_37 : i32
      %dma_start3A_39 = arith.constant 0 : i32
      %dma_start3A_40 = tpu.memref_slice %arg7[%add3A_38, %dma_start3A_39] : memref<40x128xi32, #tpu.memory_space<vmem>> -> memref<1x128xi32, #tpu.memory_space<vmem>>
      %dma_start3A_41 = tpu.memref_squeeze %dma_start3A_40 : memref<1x128xi32, #tpu.memory_space<vmem>> -> memref<128xi32, #tpu.memory_space<vmem>>
      %dma_start3A_42 = arith.constant 0 : i32
      %dma_start3A_43 = arith.constant 0 : i32
      %dma_start3A_44 = tpu.memref_slice %arg2[%dma_start3A_42, %dma_start3A_43] : memref<10112x128xf32, #tpu.memory_space<hbm>> -> memref<10112x128xf32, #tpu.memory_space<hbm>>
      tpu.enqueue_indirect_dma source(%dma_start3A_44 : memref<10112x128xf32, #tpu.memory_space<hbm>>) target(%arg10 : memref<128x128xf32, #tpu.memory_space<vmem>>) offsets(%dma_start3A_41 : memref<128xi32, #tpu.memory_space<vmem>>) semaphore(%arg13 : memref<!tpu.dma_semaphore, #tpu.memory_space<semaphore_mem>>)
      %dma_wait3A = arith.constant 0 : i32
      %dma_wait3A_45 = tpu.memref_slice %arg7[%mul3A_36, %dma_wait3A] : memref<40x128xi32, #tpu.memory_space<vmem>> -> memref<1x128xi32, #tpu.memory_space<vmem>>
      %dma_wait3A_46 = tpu.memref_squeeze %dma_wait3A_45 : memref<1x128xi32, #tpu.memory_space<vmem>> -> memref<128xi32, #tpu.memory_space<vmem>>
      %dma_wait3A_47 = arith.constant 0 : i32
      %dma_wait3A_48 = arith.constant 0 : i32
      %dma_wait3A_49 = tpu.memref_slice %arg2[%dma_wait3A_47, %dma_wait3A_48] : memref<10112x128xf32, #tpu.memory_space<hbm>> -> memref<10112x128xf32, #tpu.memory_space<hbm>>
      tpu.wait_indirect_dma semaphore(%arg12 : memref<!tpu.dma_semaphore, #tpu.memory_space<semaphore_mem>>) src(%dma_wait3A_49 : memref<10112x128xf32, #tpu.memory_space<hbm>>) dst(%arg9 : memref<128x128xf32, #tpu.memory_space<vmem>>)
      "tpu.region"() ({
        %run_scoped3A = tpu.sem_alloc : memref<!tpu.dma_semaphore, #tpu.memory_space<semaphore_mem>>
        %dma_start3A_64 = arith.constant 0 : i32
        %dma_start3A_65 = tpu.memref_slice %arg8[%mul3A_36, %dma_start3A_64] : memref<40x128xi32, #tpu.memory_space<vmem>> -> memref<1x128xi32, #tpu.memory_space<vmem>>
        %dma_start3A_66 = tpu.memref_squeeze %dma_start3A_65 : memref<1x128xi32, #tpu.memory_space<vmem>> -> memref<128xi32, #tpu.memory_space<vmem>>
        %dma_start3A_67 = arith.constant 0 : i32
        %dma_start3A_68 = arith.constant 0 : i32
        %dma_start3A_69 = tpu.memref_slice %arg11[%dma_start3A_67, %dma_start3A_68] : memref<10112x128xf32, #tpu.memory_space<vmem_shared>> -> memref<10112x128xf32, #tpu.memory_space<vmem_shared>>
        tpu.enqueue_indirect_dma source(%arg9 : memref<128x128xf32, #tpu.memory_space<vmem>>) target(%dma_start3A_69 : memref<10112x128xf32, #tpu.memory_space<vmem_shared>>) offsets(%dma_start3A_66 : memref<128xi32, #tpu.memory_space<vmem>>) semaphore(%run_scoped3A : memref<!tpu.dma_semaphore, #tpu.memory_space<semaphore_mem>>) {add = true}
        %dma_wait3A_70 = arith.constant 0 : i32
        %dma_wait3A_71 = tpu.memref_slice %arg8[%mul3A_36, %dma_wait3A_70] : memref<40x128xi32, #tpu.memory_space<vmem>> -> memref<1x128xi32, #tpu.memory_space<vmem>>
        %dma_wait3A_72 = tpu.memref_squeeze %dma_wait3A_71 : memref<1x128xi32, #tpu.memory_space<vmem>> -> memref<128xi32, #tpu.memory_space<vmem>>
        %dma_wait3A_73 = arith.constant 0 : i32
        %dma_wait3A_74 = arith.constant 0 : i32
        %dma_wait3A_75 = tpu.memref_slice %arg11[%dma_wait3A_73, %dma_wait3A_74] : memref<10112x128xf32, #tpu.memory_space<vmem_shared>> -> memref<10112x128xf32, #tpu.memory_space<vmem_shared>>
        tpu.wait_indirect_dma semaphore(%run_scoped3A : memref<!tpu.dma_semaphore, #tpu.memory_space<semaphore_mem>>) src(%arg9 : memref<128x128xf32, #tpu.memory_space<vmem>>) dst(%dma_wait3A_75 : memref<10112x128xf32, #tpu.memory_space<vmem_shared>>)
        tpu.yield
      }) : () -> ()
      %add3A_50 = arith.constant 1 : i32
      %add3A_51 = arith.addi %scan3A_34, %add3A_50 : i32
      %lt3A = arith.constant 20 : i32
      %lt3A_52 = arith.cmpi slt, %add3A_51, %lt3A : i32
      %convert_element_type3A = arith.extui %lt3A_52 : i1 to i32
      %cond3A = arith.constant 0 : i32
      %cond3A_53 = arith.cmpi ne, %convert_element_type3A, %cond3A : i32
      scf.if %cond3A_53 {
        %add3A_64 = arith.constant 2 : i32
        %add3A_65 = arith.addi %mul3A_36, %add3A_64 : i32
        %dma_start3A_66 = arith.constant 0 : i32
        %dma_start3A_67 = tpu.memref_slice %arg7[%add3A_65, %dma_start3A_66] : memref<40x128xi32, #tpu.memory_space<vmem>> -> memref<1x128xi32, #tpu.memory_space<vmem>>
        %dma_start3A_68 = tpu.memref_squeeze %dma_start3A_67 : memref<1x128xi32, #tpu.memory_space<vmem>> -> memref<128xi32, #tpu.memory_space<vmem>>
        %dma_start3A_69 = arith.constant 0 : i32
        %dma_start3A_70 = arith.constant 0 : i32
        %dma_start3A_71 = tpu.memref_slice %arg2[%dma_start3A_69, %dma_start3A_70] : memref<10112x128xf32, #tpu.memory_space<hbm>> -> memref<10112x128xf32, #tpu.memory_space<hbm>>
        tpu.enqueue_indirect_dma source(%dma_start3A_71 : memref<10112x128xf32, #tpu.memory_space<hbm>>) target(%arg9 : memref<128x128xf32, #tpu.memory_space<vmem>>) offsets(%dma_start3A_68 : memref<128xi32, #tpu.memory_space<vmem>>) semaphore(%arg12 : memref<!tpu.dma_semaphore, #tpu.memory_space<semaphore_mem>>)
      } else {
      }
      %add3A_54 = arith.constant 1 : i32
      %add3A_55 = arith.addi %mul3A_36, %add3A_54 : i32
      %dma_wait3A_56 = arith.constant 0 : i32
      %dma_wait3A_57 = tpu.memref_slice %arg7[%add3A_55, %dma_wait3A_56] : memref<40x128xi32, #tpu.memory_space<vmem>> -> memref<1x128xi32, #tpu.memory_space<vmem>>
      %dma_wait3A_58 = tpu.memref_squeeze %dma_wait3A_57 : memref<1x128xi32, #tpu.memory_space<vmem>> -> memref<128xi32, #tpu.memory_space<vmem>>
      %dma_wait3A_59 = arith.constant 0 : i32
      %dma_wait3A_60 = arith.constant 0 : i32
      %dma_wait3A_61 = tpu.memref_slice %arg2[%dma_wait3A_59, %dma_wait3A_60] : memref<10112x128xf32, #tpu.memory_space<hbm>> -> memref<10112x128xf32, #tpu.memory_space<hbm>>
      tpu.wait_indirect_dma semaphore(%arg13 : memref<!tpu.dma_semaphore, #tpu.memory_space<semaphore_mem>>) src(%dma_wait3A_61 : memref<10112x128xf32, #tpu.memory_space<hbm>>) dst(%arg10 : memref<128x128xf32, #tpu.memory_space<vmem>>)
      %add3A_62 = arith.constant 1 : i32
      %add3A_63 = arith.addi %mul3A_36, %add3A_62 : i32
      "tpu.region"() ({
        %run_scoped3A = tpu.sem_alloc : memref<!tpu.dma_semaphore, #tpu.memory_space<semaphore_mem>>
        %dma_start3A_64 = arith.constant 0 : i32
        %dma_start3A_65 = tpu.memref_slice %arg8[%add3A_63, %dma_start3A_64] : memref<40x128xi32, #tpu.memory_space<vmem>> -> memref<1x128xi32, #tpu.memory_space<vmem>>
        %dma_start3A_66 = tpu.memref_squeeze %dma_start3A_65 : memref<1x128xi32, #tpu.memory_space<vmem>> -> memref<128xi32, #tpu.memory_space<vmem>>
        %dma_start3A_67 = arith.constant 0 : i32
        %dma_start3A_68 = arith.constant 0 : i32
        %dma_start3A_69 = tpu.memref_slice %arg11[%dma_start3A_67, %dma_start3A_68] : memref<10112x128xf32, #tpu.memory_space<vmem_shared>> -> memref<10112x128xf32, #tpu.memory_space<vmem_shared>>
        tpu.enqueue_indirect_dma source(%arg10 : memref<128x128xf32, #tpu.memory_space<vmem>>) target(%dma_start3A_69 : memref<10112x128xf32, #tpu.memory_space<vmem_shared>>) offsets(%dma_start3A_66 : memref<128xi32, #tpu.memory_space<vmem>>) semaphore(%run_scoped3A : memref<!tpu.dma_semaphore, #tpu.memory_space<semaphore_mem>>) {add = true}
        %dma_wait3A_70 = arith.constant 0 : i32
        %dma_wait3A_71 = tpu.memref_slice %arg8[%add3A_63, %dma_wait3A_70] : memref<40x128xi32, #tpu.memory_space<vmem>> -> memref<1x128xi32, #tpu.memory_space<vmem>>
        %dma_wait3A_72 = tpu.memref_squeeze %dma_wait3A_71 : memref<1x128xi32, #tpu.memory_space<vmem>> -> memref<128xi32, #tpu.memory_space<vmem>>
        %dma_wait3A_73 = arith.constant 0 : i32
        %dma_wait3A_74 = arith.constant 0 : i32
        %dma_wait3A_75 = tpu.memref_slice %arg11[%dma_wait3A_73, %dma_wait3A_74] : memref<10112x128xf32, #tpu.memory_space<vmem_shared>> -> memref<10112x128xf32, #tpu.memory_space<vmem_shared>>
        tpu.wait_indirect_dma semaphore(%run_scoped3A : memref<!tpu.dma_semaphore, #tpu.memory_space<semaphore_mem>>) src(%arg10 : memref<128x128xf32, #tpu.memory_space<vmem>>) dst(%dma_wait3A_75 : memref<10112x128xf32, #tpu.memory_space<vmem_shared>>)
        tpu.yield
      }) : () -> ()
    }
    %scan3A_15 = arith.constant 20 : i32
    "tpu.region"() ({
      %run_scoped3A = tpu.sem_alloc : memref<!tpu.dma_semaphore, #tpu.memory_space<semaphore_mem>>
      %dma_start3A_34 = arith.constant 40 : i32
      %dma_start3A_35 = arith.constant 0 : i32
      %dma_start3A_36 = tpu.memref_slice %arg3[%add3A, %dma_start3A_34, %dma_start3A_35] : memref<32x80x128xi32, #tpu.memory_space<hbm>> -> memref<1x40x128xi32, #tpu.memory_space<hbm>>
      %dma_start3A_37 = tpu.memref_squeeze %dma_start3A_36 : memref<1x40x128xi32, #tpu.memory_space<hbm>> -> memref<40x128xi32, #tpu.memory_space<hbm>>
      %dma_start3A_38 = arith.constant 40 : i32
      %dma_start3A_39 = arith.constant 0 : i32
      %dma_start3A_40 = tpu.memref_slice %arg3[%add3A, %dma_start3A_38, %dma_start3A_39] : memref<32x80x128xi32, #tpu.memory_space<hbm>> -> memref<1x40x128xi32, #tpu.memory_space<hbm>>
      %dma_start3A_41 = tpu.memref_squeeze %dma_start3A_40 : memref<1x40x128xi32, #tpu.memory_space<hbm>> -> memref<40x128xi32, #tpu.memory_space<hbm>>
      tpu.enqueue_dma source(%dma_start3A_41 : memref<40x128xi32, #tpu.memory_space<hbm>>) target(%arg7 : memref<40x128xi32, #tpu.memory_space<vmem>>) target_semaphore(%run_scoped3A : memref<!tpu.dma_semaphore, #tpu.memory_space<semaphore_mem>>)
      %dma_wait3A = arith.constant 40 : i32
      %dma_wait3A_42 = arith.constant 0 : i32
      %dma_wait3A_43 = tpu.memref_slice %arg3[%add3A, %dma_wait3A, %dma_wait3A_42] : memref<32x80x128xi32, #tpu.memory_space<hbm>> -> memref<1x40x128xi32, #tpu.memory_space<hbm>>
      %dma_wait3A_44 = tpu.memref_squeeze %dma_wait3A_43 : memref<1x40x128xi32, #tpu.memory_space<hbm>> -> memref<40x128xi32, #tpu.memory_space<hbm>>
      %dma_wait3A_45 = arith.constant 40 : i32
      %dma_wait3A_46 = arith.constant 0 : i32
      %dma_wait3A_47 = tpu.memref_slice %arg3[%add3A, %dma_wait3A_45, %dma_wait3A_46] : memref<32x80x128xi32, #tpu.memory_space<hbm>> -> memref<1x40x128xi32, #tpu.memory_space<hbm>>
      %dma_wait3A_48 = tpu.memref_squeeze %dma_wait3A_47 : memref<1x40x128xi32, #tpu.memory_space<hbm>> -> memref<40x128xi32, #tpu.memory_space<hbm>>
      tpu.wait_dma2 semaphore(%run_scoped3A : memref<!tpu.dma_semaphore, #tpu.memory_space<semaphore_mem>>) src(%dma_wait3A_48 : memref<40x128xi32, #tpu.memory_space<hbm>>) dst(%arg7 : memref<40x128xi32, #tpu.memory_space<vmem>>)
      tpu.yield
    }) : () -> ()
    "tpu.region"() ({
      %run_scoped3A = tpu.sem_alloc : memref<!tpu.dma_semaphore, #tpu.memory_space<semaphore_mem>>
      %dma_start3A_34 = arith.constant 40 : i32
      %dma_start3A_35 = arith.constant 0 : i32
      %dma_start3A_36 = tpu.memref_slice %arg4[%add3A, %dma_start3A_34, %dma_start3A_35] : memref<32x80x128xi32, #tpu.memory_space<hbm>> -> memref<1x40x128xi32, #tpu.memory_space<hbm>>
      %dma_start3A_37 = tpu.memref_squeeze %dma_start3A_36 : memref<1x40x128xi32, #tpu.memory_space<hbm>> -> memref<40x128xi32, #tpu.memory_space<hbm>>
      %dma_start3A_38 = arith.constant 40 : i32
      %dma_start3A_39 = arith.constant 0 : i32
      %dma_start3A_40 = tpu.memref_slice %arg4[%add3A, %dma_start3A_38, %dma_start3A_39] : memref<32x80x128xi32, #tpu.memory_space<hbm>> -> memref<1x40x128xi32, #tpu.memory_space<hbm>>
      %dma_start3A_41 = tpu.memref_squeeze %dma_start3A_40 : memref<1x40x128xi32, #tpu.memory_space<hbm>> -> memref<40x128xi32, #tpu.memory_space<hbm>>
      tpu.enqueue_dma source(%dma_start3A_41 : memref<40x128xi32, #tpu.memory_space<hbm>>) target(%arg8 : memref<40x128xi32, #tpu.memory_space<vmem>>) target_semaphore(%run_scoped3A : memref<!tpu.dma_semaphore, #tpu.memory_space<semaphore_mem>>)
      %dma_wait3A = arith.constant 40 : i32
      %dma_wait3A_42 = arith.constant 0 : i32
      %dma_wait3A_43 = tpu.memref_slice %arg4[%add3A, %dma_wait3A, %dma_wait3A_42] : memref<32x80x128xi32, #tpu.memory_space<hbm>> -> memref<1x40x128xi32, #tpu.memory_space<hbm>>
      %dma_wait3A_44 = tpu.memref_squeeze %dma_wait3A_43 : memref<1x40x128xi32, #tpu.memory_space<hbm>> -> memref<40x128xi32, #tpu.memory_space<hbm>>
      %dma_wait3A_45 = arith.constant 40 : i32
      %dma_wait3A_46 = arith.constant 0 : i32
      %dma_wait3A_47 = tpu.memref_slice %arg4[%add3A, %dma_wait3A_45, %dma_wait3A_46] : memref<32x80x128xi32, #tpu.memory_space<hbm>> -> memref<1x40x128xi32, #tpu.memory_space<hbm>>
      %dma_wait3A_48 = tpu.memref_squeeze %dma_wait3A_47 : memref<1x40x128xi32, #tpu.memory_space<hbm>> -> memref<40x128xi32, #tpu.memory_space<hbm>>
      tpu.wait_dma2 semaphore(%run_scoped3A : memref<!tpu.dma_semaphore, #tpu.memory_space<semaphore_mem>>) src(%dma_wait3A_48 : memref<40x128xi32, #tpu.memory_space<hbm>>) dst(%arg8 : memref<40x128xi32, #tpu.memory_space<vmem>>)
      tpu.yield
    }) : () -> ()
    %dma_start3A_16 = arith.constant 0 : i32
    %dma_start3A_17 = arith.constant 0 : i32
    %dma_start3A_18 = tpu.memref_slice %arg7[%dma_start3A_16, %dma_start3A_17] : memref<40x128xi32, #tpu.memory_space<vmem>> -> memref<1x128xi32, #tpu.memory_space<vmem>>
    %dma_start3A_19 = tpu.memref_squeeze %dma_start3A_18 : memref<1x128xi32, #tpu.memory_space<vmem>> -> memref<128xi32, #tpu.memory_space<vmem>>
    %dma_start3A_20 = arith.constant 0 : i32
    %dma_start3A_21 = arith.constant 0 : i32
    %dma_start3A_22 = tpu.memref_slice %arg2[%dma_start3A_20, %dma_start3A_21] : memref<10112x128xf32, #tpu.memory_space<hbm>> -> memref<10112x128xf32, #tpu.memory_space<hbm>>
    tpu.enqueue_indirect_dma source(%dma_start3A_22 : memref<10112x128xf32, #tpu.memory_space<hbm>>) target(%arg9 : memref<128x128xf32, #tpu.memory_space<vmem>>) offsets(%dma_start3A_19 : memref<128xi32, #tpu.memory_space<vmem>>) semaphore(%arg12 : memref<!tpu.dma_semaphore, #tpu.memory_space<semaphore_mem>>)
    %scan3A_23 = arith.constant 0 : i32
    %scan3A_24 = arith.constant 0 : i32
    %scan3A_25 = arith.constant 20 : i32
    %scan3A_26 = arith.addi %scan3A_24, %scan3A_25 : i32
    %scan3A_27 = arith.constant 1 : i32
    scf.for %scan3A_34 = %scan3A_24 to %scan3A_26 step %scan3A_27  : i32 {
      %mul3A_35 = arith.constant 2 : i32
      %mul3A_36 = arith.muli %scan3A_34, %mul3A_35 : i32
      %add3A_37 = arith.constant 1 : i32
      %add3A_38 = arith.addi %mul3A_36, %add3A_37 : i32
      %dma_start3A_39 = arith.constant 0 : i32
      %dma_start3A_40 = tpu.memref_slice %arg7[%add3A_38, %dma_start3A_39] : memref<40x128xi32, #tpu.memory_space<vmem>> -> memref<1x128xi32, #tpu.memory_space<vmem>>
      %dma_start3A_41 = tpu.memref_squeeze %dma_start3A_40 : memref<1x128xi32, #tpu.memory_space<vmem>> -> memref<128xi32, #tpu.memory_space<vmem>>
      %dma_start3A_42 = arith.constant 0 : i32
      %dma_start3A_43 = arith.constant 0 : i32
      %dma_start3A_44 = tpu.memref_slice %arg2[%dma_start3A_42, %dma_start3A_43] : memref<10112x128xf32, #tpu.memory_space<hbm>> -> memref<10112x128xf32, #tpu.memory_space<hbm>>
      tpu.enqueue_indirect_dma source(%dma_start3A_44 : memref<10112x128xf32, #tpu.memory_space<hbm>>) target(%arg10 : memref<128x128xf32, #tpu.memory_space<vmem>>) offsets(%dma_start3A_41 : memref<128xi32, #tpu.memory_space<vmem>>) semaphore(%arg13 : memref<!tpu.dma_semaphore, #tpu.memory_space<semaphore_mem>>)
      %dma_wait3A = arith.constant 0 : i32
      %dma_wait3A_45 = tpu.memref_slice %arg7[%mul3A_36, %dma_wait3A] : memref<40x128xi32, #tpu.memory_space<vmem>> -> memref<1x128xi32, #tpu.memory_space<vmem>>
      %dma_wait3A_46 = tpu.memref_squeeze %dma_wait3A_45 : memref<1x128xi32, #tpu.memory_space<vmem>> -> memref<128xi32, #tpu.memory_space<vmem>>
      %dma_wait3A_47 = arith.constant 0 : i32
      %dma_wait3A_48 = arith.constant 0 : i32
      %dma_wait3A_49 = tpu.memref_slice %arg2[%dma_wait3A_47, %dma_wait3A_48] : memref<10112x128xf32, #tpu.memory_space<hbm>> -> memref<10112x128xf32, #tpu.memory_space<hbm>>
      tpu.wait_indirect_dma semaphore(%arg12 : memref<!tpu.dma_semaphore, #tpu.memory_space<semaphore_mem>>) src(%dma_wait3A_49 : memref<10112x128xf32, #tpu.memory_space<hbm>>) dst(%arg9 : memref<128x128xf32, #tpu.memory_space<vmem>>)
      "tpu.region"() ({
        %run_scoped3A = tpu.sem_alloc : memref<!tpu.dma_semaphore, #tpu.memory_space<semaphore_mem>>
        %dma_start3A_64 = arith.constant 0 : i32
        %dma_start3A_65 = tpu.memref_slice %arg8[%mul3A_36, %dma_start3A_64] : memref<40x128xi32, #tpu.memory_space<vmem>> -> memref<1x128xi32, #tpu.memory_space<vmem>>
        %dma_start3A_66 = tpu.memref_squeeze %dma_start3A_65 : memref<1x128xi32, #tpu.memory_space<vmem>> -> memref<128xi32, #tpu.memory_space<vmem>>
        %dma_start3A_67 = arith.constant 0 : i32
        %dma_start3A_68 = arith.constant 0 : i32
        %dma_start3A_69 = tpu.memref_slice %arg11[%dma_start3A_67, %dma_start3A_68] : memref<10112x128xf32, #tpu.memory_space<vmem_shared>> -> memref<10112x128xf32, #tpu.memory_space<vmem_shared>>
        tpu.enqueue_indirect_dma source(%arg9 : memref<128x128xf32, #tpu.memory_space<vmem>>) target(%dma_start3A_69 : memref<10112x128xf32, #tpu.memory_space<vmem_shared>>) offsets(%dma_start3A_66 : memref<128xi32, #tpu.memory_space<vmem>>) semaphore(%run_scoped3A : memref<!tpu.dma_semaphore, #tpu.memory_space<semaphore_mem>>) {add = true}
        %dma_wait3A_70 = arith.constant 0 : i32
        %dma_wait3A_71 = tpu.memref_slice %arg8[%mul3A_36, %dma_wait3A_70] : memref<40x128xi32, #tpu.memory_space<vmem>> -> memref<1x128xi32, #tpu.memory_space<vmem>>
        %dma_wait3A_72 = tpu.memref_squeeze %dma_wait3A_71 : memref<1x128xi32, #tpu.memory_space<vmem>> -> memref<128xi32, #tpu.memory_space<vmem>>
        %dma_wait3A_73 = arith.constant 0 : i32
        %dma_wait3A_74 = arith.constant 0 : i32
        %dma_wait3A_75 = tpu.memref_slice %arg11[%dma_wait3A_73, %dma_wait3A_74] : memref<10112x128xf32, #tpu.memory_space<vmem_shared>> -> memref<10112x128xf32, #tpu.memory_space<vmem_shared>>
        tpu.wait_indirect_dma semaphore(%run_scoped3A : memref<!tpu.dma_semaphore, #tpu.memory_space<semaphore_mem>>) src(%arg9 : memref<128x128xf32, #tpu.memory_space<vmem>>) dst(%dma_wait3A_75 : memref<10112x128xf32, #tpu.memory_space<vmem_shared>>)
        tpu.yield
      }) : () -> ()
      %add3A_50 = arith.constant 1 : i32
      %add3A_51 = arith.addi %scan3A_34, %add3A_50 : i32
      %lt3A = arith.constant 20 : i32
      %lt3A_52 = arith.cmpi slt, %add3A_51, %lt3A : i32
      %convert_element_type3A = arith.extui %lt3A_52 : i1 to i32
      %cond3A = arith.constant 0 : i32
      %cond3A_53 = arith.cmpi ne, %convert_element_type3A, %cond3A : i32
      scf.if %cond3A_53 {
        %add3A_64 = arith.constant 2 : i32
        %add3A_65 = arith.addi %mul3A_36, %add3A_64 : i32
        %dma_start3A_66 = arith.constant 0 : i32
        %dma_start3A_67 = tpu.memref_slice %arg7[%add3A_65, %dma_start3A_66] : memref<40x128xi32, #tpu.memory_space<vmem>> -> memref<1x128xi32, #tpu.memory_space<vmem>>
        %dma_start3A_68 = tpu.memref_squeeze %dma_start3A_67 : memref<1x128xi32, #tpu.memory_space<vmem>> -> memref<128xi32, #tpu.memory_space<vmem>>
        %dma_start3A_69 = arith.constant 0 : i32
        %dma_start3A_70 = arith.constant 0 : i32
        %dma_start3A_71 = tpu.memref_slice %arg2[%dma_start3A_69, %dma_start3A_70] : memref<10112x128xf32, #tpu.memory_space<hbm>> -> memref<10112x128xf32, #tpu.memory_space<hbm>>
        tpu.enqueue_indirect_dma source(%dma_start3A_71 : memref<10112x128xf32, #tpu.memory_space<hbm>>) target(%arg9 : memref<128x128xf32, #tpu.memory_space<vmem>>) offsets(%dma_start3A_68 : memref<128xi32, #tpu.memory_space<vmem>>) semaphore(%arg12 : memref<!tpu.dma_semaphore, #tpu.memory_space<semaphore_mem>>)
      } else {
      }
      %add3A_54 = arith.constant 1 : i32
      %add3A_55 = arith.addi %mul3A_36, %add3A_54 : i32
      %dma_wait3A_56 = arith.constant 0 : i32
      %dma_wait3A_57 = tpu.memref_slice %arg7[%add3A_55, %dma_wait3A_56] : memref<40x128xi32, #tpu.memory_space<vmem>> -> memref<1x128xi32, #tpu.memory_space<vmem>>
      %dma_wait3A_58 = tpu.memref_squeeze %dma_wait3A_57 : memref<1x128xi32, #tpu.memory_space<vmem>> -> memref<128xi32, #tpu.memory_space<vmem>>
      %dma_wait3A_59 = arith.constant 0 : i32
      %dma_wait3A_60 = arith.constant 0 : i32
      %dma_wait3A_61 = tpu.memref_slice %arg2[%dma_wait3A_59, %dma_wait3A_60] : memref<10112x128xf32, #tpu.memory_space<hbm>> -> memref<10112x128xf32, #tpu.memory_space<hbm>>
      tpu.wait_indirect_dma semaphore(%arg13 : memref<!tpu.dma_semaphore, #tpu.memory_space<semaphore_mem>>) src(%dma_wait3A_61 : memref<10112x128xf32, #tpu.memory_space<hbm>>) dst(%arg10 : memref<128x128xf32, #tpu.memory_space<vmem>>)
      %add3A_62 = arith.constant 1 : i32
      %add3A_63 = arith.addi %mul3A_36, %add3A_62 : i32
      "tpu.region"() ({
        %run_scoped3A = tpu.sem_alloc : memref<!tpu.dma_semaphore, #tpu.memory_space<semaphore_mem>>
        %dma_start3A_64 = arith.constant 0 : i32
        %dma_start3A_65 = tpu.memref_slice %arg8[%add3A_63, %dma_start3A_64] : memref<40x128xi32, #tpu.memory_space<vmem>> -> memref<1x128xi32, #tpu.memory_space<vmem>>
        %dma_start3A_66 = tpu.memref_squeeze %dma_start3A_65 : memref<1x128xi32, #tpu.memory_space<vmem>> -> memref<128xi32, #tpu.memory_space<vmem>>
        %dma_start3A_67 = arith.constant 0 : i32
        %dma_start3A_68 = arith.constant 0 : i32
        %dma_start3A_69 = tpu.memref_slice %arg11[%dma_start3A_67, %dma_start3A_68] : memref<10112x128xf32, #tpu.memory_space<vmem_shared>> -> memref<10112x128xf32, #tpu.memory_space<vmem_shared>>
        tpu.enqueue_indirect_dma source(%arg10 : memref<128x128xf32, #tpu.memory_space<vmem>>) target(%dma_start3A_69 : memref<10112x128xf32, #tpu.memory_space<vmem_shared>>) offsets(%dma_start3A_66 : memref<128xi32, #tpu.memory_space<vmem>>) semaphore(%run_scoped3A : memref<!tpu.dma_semaphore, #tpu.memory_space<semaphore_mem>>) {add = true}
        %dma_wait3A_70 = arith.constant 0 : i32
        %dma_wait3A_71 = tpu.memref_slice %arg8[%add3A_63, %dma_wait3A_70] : memref<40x128xi32, #tpu.memory_space<vmem>> -> memref<1x128xi32, #tpu.memory_space<vmem>>
        %dma_wait3A_72 = tpu.memref_squeeze %dma_wait3A_71 : memref<1x128xi32, #tpu.memory_space<vmem>> -> memref<128xi32, #tpu.memory_space<vmem>>
        %dma_wait3A_73 = arith.constant 0 : i32
        %dma_wait3A_74 = arith.constant 0 : i32
        %dma_wait3A_75 = tpu.memref_slice %arg11[%dma_wait3A_73, %dma_wait3A_74] : memref<10112x128xf32, #tpu.memory_space<vmem_shared>> -> memref<10112x128xf32, #tpu.memory_space<vmem_shared>>
        tpu.wait_indirect_dma semaphore(%run_scoped3A : memref<!tpu.dma_semaphore, #tpu.memory_space<semaphore_mem>>) src(%arg10 : memref<128x128xf32, #tpu.memory_space<vmem>>) dst(%dma_wait3A_75 : memref<10112x128xf32, #tpu.memory_space<vmem_shared>>)
        tpu.yield
      }) : () -> ()
    }
    %scan3A_28 = arith.constant 20 : i32
    %barrier3A_29 = arith.constant 0 : index
    tpu.barrier barrier_id(%barrier3A_29)
    %mul3A_30 = arith.constant 632 : i32
    %mul3A_31 = arith.muli %arg1, %mul3A_30 : i32
    %mul3A_32 = arith.constant 632 : i32
    %mul3A_33 = arith.muli %arg1, %mul3A_32 : i32
    "tpu.region"() ({
      %run_scoped3A = tpu.sem_alloc : memref<!tpu.dma_semaphore, #tpu.memory_space<semaphore_mem>>
      %dma_start3A_34 = arith.constant 0 : i32
      %dma_start3A_35 = tpu.memref_slice %arg6[%arg0, %mul3A_33, %dma_start3A_34] : memref<2x10112x128xf32, #tpu.memory_space<hbm>> -> memref<1x632x128xf32, #tpu.memory_space<hbm>>
      %dma_start3A_36 = tpu.memref_squeeze %dma_start3A_35 : memref<1x632x128xf32, #tpu.memory_space<hbm>> -> memref<632x128xf32, #tpu.memory_space<hbm>>
      %dma_start3A_37 = arith.constant 0 : i32
      %dma_start3A_38 = tpu.memref_slice %arg11[%mul3A_31, %dma_start3A_37] : memref<10112x128xf32, #tpu.memory_space<vmem_shared>> -> memref<632x128xf32, #tpu.memory_space<vmem_shared>>
      tpu.enqueue_dma source(%dma_start3A_38 : memref<632x128xf32, #tpu.memory_space<vmem_shared>>) target(%dma_start3A_36 : memref<632x128xf32, #tpu.memory_space<hbm>>) target_semaphore(%run_scoped3A : memref<!tpu.dma_semaphore, #tpu.memory_space<semaphore_mem>>)
      %dma_wait3A = arith.constant 0 : i32
      %dma_wait3A_39 = tpu.memref_slice %arg6[%arg0, %mul3A_33, %dma_wait3A] : memref<2x10112x128xf32, #tpu.memory_space<hbm>> -> memref<1x632x128xf32, #tpu.memory_space<hbm>>
      %dma_wait3A_40 = tpu.memref_squeeze %dma_wait3A_39 : memref<1x632x128xf32, #tpu.memory_space<hbm>> -> memref<632x128xf32, #tpu.memory_space<hbm>>
      %dma_wait3A_41 = arith.constant 0 : i32
      %dma_wait3A_42 = tpu.memref_slice %arg11[%mul3A_31, %dma_wait3A_41] : memref<10112x128xf32, #tpu.memory_space<vmem_shared>> -> memref<632x128xf32, #tpu.memory_space<vmem_shared>>
      tpu.wait_dma2 semaphore(%run_scoped3A : memref<!tpu.dma_semaphore, #tpu.memory_space<semaphore_mem>>) src(%dma_wait3A_42 : memref<632x128xf32, #tpu.memory_space<vmem_shared>>) dst(%dma_wait3A_40 : memref<632x128xf32, #tpu.memory_space<hbm>>)
      tpu.yield
    }) : () -> ()
    return
  }
}

module attributes {stable_mosaic.version = 14 : i64} {
  func.func @_mm_body(%arg0: memref<10112x128xf32, #tpu.memory_space<vmem>>, %arg1: memref<128x128xf32, #tpu.memory_space<vmem>>, %arg2: memref<10112x128xf32, #tpu.memory_space<vmem>>) attributes {dimension_semantics = [], scalar_prefetch = 0 : i64, scratch_operands = 0 : i64, tpu.core_type = #tpu.core_type<tc>} {
    %get3A = arith.constant 0 : index
    %get3A_0 = arith.constant 0 : index
    %get3A_1 = vector.load %arg0[%get3A, %get3A_0] : memref<10112x128xf32, #tpu.memory_space<vmem>>, vector<10112x128xf32>
    %get3A_2 = arith.constant 0 : index
    %get3A_3 = arith.constant 0 : index
    %get3A_4 = vector.load %arg1[%get3A_2, %get3A_3] : memref<128x128xf32, #tpu.memory_space<vmem>>, vector<128x128xf32>
    %dot_general3A = arith.constant dense<0.000000e+00> : vector<10112x128xf32>
    %dot_general3A_5 = tpu.matmul %get3A_1, %get3A_4, %dot_general3A {dimension_numbers = #tpu.dot_dimension_numbers<[1], [0], [0], [1], [0, 0, 1, 1], [], []>, transpose_lhs_hint = false} : vector<10112x128xf32>, vector<128x128xf32>, vector<10112x128xf32> -> vector<10112x128xf32>
    %swap3A = arith.constant 0 : index
    %swap3A_6 = arith.constant 0 : index
    %swap3A_7 = vector.load %arg2[%swap3A, %swap3A_6] : memref<10112x128xf32, #tpu.memory_space<vmem>>, vector<10112x128xf32>
    tpu.vector_store %arg2[%swap3A, %swap3A_6], %dot_general3A_5 {strides = array<i32>} : memref<10112x128xf32, #tpu.memory_space<vmem>>, vector<10112x128xf32>,
    return
  }
}

module attributes {stable_mosaic.version = 14 : i64} {
  func.func @_post_body(%arg0: memref<2x10112x128xf32, #tpu.memory_space<vmem>>, %arg1: memref<1x128xf32, #tpu.memory_space<vmem>>, %arg2: memref<1x128xf32, #tpu.memory_space<vmem>>, %arg3: memref<1x128xf32, #tpu.memory_space<vmem>>, %arg4: memref<1x128xf32, #tpu.memory_space<vmem>>, %arg5: memref<1x128xf32, #tpu.memory_space<vmem>>, %arg6: memref<10112x128xf32, #tpu.memory_space<vmem>>) attributes {dimension_semantics = [], scalar_prefetch = 0 : i64, scratch_operands = 0 : i64, tpu.core_type = #tpu.core_type<tc>} {
    %get3A = arith.constant 0 : index
    %get3A_0 = arith.constant 0 : index
    %get3A_1 = arith.constant 0 : index
    %get3A_2 = vector.load %arg0[%get3A, %get3A_0, %get3A_1] : memref<2x10112x128xf32, #tpu.memory_space<vmem>>, vector<1x10000x128xf32>
    %get3A_3 = vector.shape_cast %get3A_2 : vector<1x10000x128xf32> to vector<10000x128xf32>
    %get3A_4 = arith.constant 1 : index
    %get3A_5 = arith.constant 0 : index
    %get3A_6 = arith.constant 0 : index
    %get3A_7 = vector.load %arg0[%get3A_4, %get3A_5, %get3A_6] : memref<2x10112x128xf32, #tpu.memory_space<vmem>>, vector<1x10000x128xf32>
    %get3A_8 = vector.shape_cast %get3A_7 : vector<1x10000x128xf32> to vector<10000x128xf32>
    %add3A = arith.addf %get3A_3, %get3A_8 : vector<10000x128xf32>
    %get3A_9 = arith.constant 0 : index
    %get3A_10 = arith.constant 0 : index
    %get3A_11 = vector.load %arg1[%get3A_9, %get3A_10] : memref<1x128xf32, #tpu.memory_space<vmem>>, vector<1x128xf32>
    %add3A_12 = vector.broadcast %get3A_11 : vector<1x128xf32> to vector<10000x128xf32>
    %add3A_13 = arith.addf %add3A, %add3A_12 : vector<10000x128xf32>
    %gt3A = arith.constant 0.000000e+00 : f32
    %gt3A_14 = vector.broadcast %gt3A : f32 to vector<10000x128xf32>
    %gt3A_15 = arith.cmpf ogt, %add3A_13, %gt3A_14 : vector<10000x128xf32>
    %get3A_16 = arith.constant 0 : index
    %get3A_17 = arith.constant 0 : index
    %get3A_18 = vector.load %arg4[%get3A_16, %get3A_17] : memref<1x128xf32, #tpu.memory_space<vmem>>, vector<1x128xf32>
    %mul3A = vector.broadcast %get3A_18 : vector<1x128xf32> to vector<10000x128xf32>
    %mul3A_19 = arith.mulf %mul3A, %add3A_13 : vector<10000x128xf32>
    %select_n3A = arith.select %gt3A_15, %add3A_13, %mul3A_19 : vector<10000x128xi1>, vector<10000x128xf32>
    %reduce_sum3A = arith.constant dense<0.000000e+00> : vector<128xf32>
    %reduce_sum3A_20 = vector.multi_reduction <add>, %select_n3A, %reduce_sum3A [0] : vector<10000x128xf32> to vector<128xf32>
    %broadcast_in_dim3A = vector.shape_cast %reduce_sum3A_20 : vector<128xf32> to vector<1x128xf32>
    %div3A = arith.constant 1.000000e+04 : f32
    %div3A_21 = vector.broadcast %div3A : f32 to vector<1x128xf32>
    %div3A_22 = arith.divf %broadcast_in_dim3A, %div3A_21 : vector<1x128xf32>
    %sub3A = vector.broadcast %div3A_22 : vector<1x128xf32> to vector<10000x128xf32>
    %sub3A_23 = arith.subf %select_n3A, %sub3A : vector<10000x128xf32>
    %integer_pow3A = arith.mulf %sub3A_23, %sub3A_23 : vector<10000x128xf32>
    %reduce_sum3A_24 = arith.constant dense<0.000000e+00> : vector<128xf32>
    %reduce_sum3A_25 = vector.multi_reduction <add>, %integer_pow3A, %reduce_sum3A_24 [0] : vector<10000x128xf32> to vector<128xf32>
    %broadcast_in_dim3A_26 = vector.shape_cast %reduce_sum3A_25 : vector<128xf32> to vector<1x128xf32>
    %div3A_27 = arith.constant 1.000000e+04 : f32
    %div3A_28 = vector.broadcast %div3A_27 : f32 to vector<1x128xf32>
    %div3A_29 = arith.divf %broadcast_in_dim3A_26, %div3A_28 : vector<1x128xf32>
    %sub3A_30 = vector.broadcast %div3A_22 : vector<1x128xf32> to vector<10000x128xf32>
    %sub3A_31 = arith.subf %select_n3A, %sub3A_30 : vector<10000x128xf32>
    %add3A_32 = arith.constant 9.99999974E-6 : f32
    %add3A_33 = vector.broadcast %add3A_32 : f32 to vector<1x128xf32>
    %add3A_34 = arith.addf %div3A_29, %add3A_33 : vector<1x128xf32>
    %rsqrt3A = math.rsqrt %add3A_34 : vector<1x128xf32>
    %mul3A_35 = vector.broadcast %rsqrt3A : vector<1x128xf32> to vector<10000x128xf32>
    %mul3A_36 = arith.mulf %sub3A_31, %mul3A_35 : vector<10000x128xf32>
    %get3A_37 = arith.constant 0 : index
    %get3A_38 = arith.constant 0 : index
    %get3A_39 = vector.load %arg2[%get3A_37, %get3A_38] : memref<1x128xf32, #tpu.memory_space<vmem>>, vector<1x128xf32>
    %mul3A_40 = vector.broadcast %get3A_39 : vector<1x128xf32> to vector<10000x128xf32>
    %mul3A_41 = arith.mulf %mul3A_36, %mul3A_40 : vector<10000x128xf32>
    %get3A_42 = arith.constant 0 : index
    %get3A_43 = arith.constant 0 : index
    %get3A_44 = vector.load %arg3[%get3A_42, %get3A_43] : memref<1x128xf32, #tpu.memory_space<vmem>>, vector<1x128xf32>
    %add3A_45 = vector.broadcast %get3A_44 : vector<1x128xf32> to vector<10000x128xf32>
    %add3A_46 = arith.addf %mul3A_41, %add3A_45 : vector<10000x128xf32>
    %gt3A_47 = arith.constant 0.000000e+00 : f32
    %gt3A_48 = vector.broadcast %gt3A_47 : f32 to vector<10000x128xf32>
    %gt3A_49 = arith.cmpf ogt, %add3A_46, %gt3A_48 : vector<10000x128xf32>
    %get3A_50 = arith.constant 0 : index
    %get3A_51 = arith.constant 0 : index
    %get3A_52 = vector.load %arg5[%get3A_50, %get3A_51] : memref<1x128xf32, #tpu.memory_space<vmem>>, vector<1x128xf32>
    %mul3A_53 = vector.broadcast %get3A_52 : vector<1x128xf32> to vector<10000x128xf32>
    %mul3A_54 = arith.mulf %mul3A_53, %add3A_46 : vector<10000x128xf32>
    %select_n3A_55 = arith.select %gt3A_49, %add3A_46, %mul3A_54 : vector<10000x128xi1>, vector<10000x128xf32>
    %swap3A = arith.constant 0 : index
    %swap3A_56 = arith.constant 0 : index
    %swap3A_57 = vector.load %arg6[%swap3A, %swap3A_56] : memref<10112x128xf32, #tpu.memory_space<vmem>>, vector<10000x128xf32>
    tpu.vector_store %arg6[%swap3A, %swap3A_56], %select_n3A_55 {strides = array<i32>} : memref<10112x128xf32, #tpu.memory_space<vmem>>, vector<10000x128xf32>,
    %broadcast_in_dim3A_58 = arith.constant 0.000000e+00 : f32
    %broadcast_in_dim3A_59 = vector.broadcast %broadcast_in_dim3A_58 : f32 to vector<112x128xf32>
    %swap3A_60 = arith.constant 10000 : index
    %swap3A_61 = arith.constant 0 : index
    %swap3A_62 = vector.load %arg6[%swap3A_60, %swap3A_61] : memref<10112x128xf32, #tpu.memory_space<vmem>>, vector<112x128xf32>
    tpu.vector_store %arg6[%swap3A_60, %swap3A_61], %broadcast_in_dim3A_59 {strides = array<i32>} : memref<10112x128xf32, #tpu.memory_space<vmem>>, vector<112x128xf32>,
    return
  }
}

</mosaic_0001>

<sc_bundles>
// kernel: kernel.11.cloned.1.call-start
scs
__scs_entry_jumppad:
0x0: {  	(pc) =	sbr.rel $0x88, $3  }
0x1: {  	(tag) =	ssettag $0x0;
	lr =	simm.s32 $0x1  }
0x2: {  	[smem:$0x3F99] =	sst lr;
	_ =	strace $0xD0000000  }
0x3: {  	_ = 	snop  }
0x4: {  	_ = 	snop  }
0x5: {  	_ = 	snop  }
0x6: {  	_ = 	snop  }
0x7: {  	_ = 	snop  }
__scs_overlays_trampoline_lowered:
0x8: {  	[smem:$0x3FA8] =	sst s0  }
0x9: {  	[smem:$0x3FA9] =	sst s1  }
0xa: {  	[smem:$0x3FAA] =	sst s2  }
0xb: {  	[smem:$0x3FAB] =	sst s3  }
0xc: {  	[smem:$0x3FAC] =	sst s4  }
0xd: {  	[smem:$0x3FAD] =	sst s5  }
0xe: {  	[smem:$0x3FAE] =	sst s6  }
0xf: {  	[smem:$0x3FAF] =	sst s7  }
0x10: {  	[smem:$0x3FB0] =	sst s8  }
0x11: {  	[smem:$0x3FB1] =	sst s9;
	s0 =	simm.s32 @!p0 $0x0  }
0x12: {  	s1 =	sld [smem:$0x3F97];
	s0 =	simm.s32 @p0 $0x1  }
0x13: {  	[smem:$0x3FB2] =	sst s0;
	s0 =	simm.s32 @!p1 $0x0  }
0x14: {  	s2 =	sld [smem:$0x3F96];
	s0 =	simm.s32 @p1 $0x1  }
0x15: {  	[smem:$0x3FB3] =	sst s0;
	s0 =	simm.s32 @!p2 $0x0  }
0x16: {  	s3 =	sld [smem:$0x3FDB];
	s0 =	simm.s32 @p2 $0x1  }
0x17: {  	s4 =	simm.s32 $0x1BF5;
	[smem:$0x3FB5] =	sst s0  }
0x18: {  	s0 =	sld [smem:$0x3F98];
	_ =	swait.ge [sflag:s4], $0x0  }
0x19: {  	s7 =	sld [smem:$0x3F99]  }
0x1a: {  	s8 =	sadd.s32 $0xFFFFE003, lr  }
0x1b: {  	s9 =	sadd.s32 $0xFFFFFEF7, lr;
	s5 =	simm.s32 $0xFFFFFFFF;
	p2 =	slt.u32 s8, $0xFFFFF086  }
0x1c: {  	p1 =	slt.u32 s9, $0xF7A;
	s5 =	simm.s32 @!p2 $0x0  }
0x1d: {  	s5 =	simm.s32 @p1 $0x1;
	p0 =	seq.s32 s7, s2  }
0x1e: {  	s7 =	smul.u32 @!p0 $0xF7A, s2;
	p2 =	seq.s32 @!p0 s5, $0x0  }
0x1f: {  	s9 =	smul.u32 $0xF7A, s1;
	s8 =	simm.s32 @!p0 $0x1BF5;
	p2 =	por !p2, p0  }
0x20: {  	[sflag:s8] =	ssyncset.s32 @!p0 $0xFFFFF086;
	s6 =	sadd.s32 @!p0 s3, s7;
	s7 =	simm.s32 @!p0 $0x108  }
0x21: {  	s3 =	sadd.s32 s3, s9;
	s6 =	sadd.s32 @!p0 $0x88, s6;
	s7 =	simm.s32 @p2 $0x1082  }
0x22: {  	[simem:s7], [sflag:s8] =	dma.local @!p0 [hbm:s6], $0xF7A  }
0x23: {  	s9 =	sor.u32 $0xD0000000, s2;
	s6 =	simm.s32 $0x108;
	_ =	swait.ge @!p0 [sflag:s8], $0x0  }
0x24: {  	s3 =	sadd.s32 $0x88, s3;
	s6 =	simm.s32 @!p1 $0x1082;
	[sflag:s4] =	ssyncset.s32 $0xFFFFF086  }
0x25: {  	[simem:s6], [sflag:s4] =	dma.local [hbm:s3], $0xF7A  }
0x26: {  	[smem:$0x3F99] =	sst s1;
	(tag) =	ssettag s2;
	_ =	strace s9  }
0x27: {  	s1 =	sld [smem:$0x3FA9]  }
0x28: {  	s2 =	sld [smem:$0x3FAA]  }
0x29: {  	s4 =	sld [smem:$0x3FAC]  }
0x2a: {  	p0 =	seq.s32 s5, $0x0;
	s5 =	sld [smem:$0x3FAD]  }
0x2b: {  	s6 =	sld [smem:$0x3FAE]  }
0x2c: {  	s7 =	sld [smem:$0x3FAF]  }
0x2d: {  	s3 =	simm.s32 $0x108;
	s8 =	sld [smem:$0x3FB0]  }
0x2e: {  	s3 =	simm.s32 @!p0 $0x1082;
	s9 =	sld [smem:$0x3FB1]  }
0x2f: {  	lr =	sadd.s32 s0, s3;
	s0 =	sld [smem:$0x3FA8]  }
0x30: {  	s3 =	sld [smem:$0x3FAB]  }
0x31: {  	[smem:$0x3FB4] =	sst s10  }
0x32: {  	s10 =	sld [smem:$0x3FB2];
	_ =	sdelay $0x3  }
0x33: {  	p0 =	seq.s32 s10, $0x1;
	s10 =	sld [smem:$0x3FB4];
	_ =	sdelay $0x3  }
0x34: {  	[smem:$0x3FB4] =	sst s10  }
0x35: {  	s10 =	sld [smem:$0x3FB3];
	_ =	sdelay $0x3  }
0x36: {  	p1 =	seq.s32 s10, $0x1;
	s10 =	sld [smem:$0x3FB4];
	_ =	sdelay $0x3  }
0x37: {  	[smem:$0x3FB4] =	sst s10  }
0x38: {  	s10 =	sld [smem:$0x3FB5]  }
0x39: {  	_ = 	snop;
	(pc) =	sbr.ind lr, $3  }
0x3a: {  	_ = 	snop  }
0x3b: {  	_ = 	snop  }
0x3c: {  	p2 =	seq.s32 s10, $0x1;
	s10 =	sld [smem:$0x3FB4]  }
0x3d: {  	_ =	shalt  }
0x3e: {  	_ =	shalt  }
0x3f: {  	_ =	shalt  }
0x40: {  	_ =	shalt  }
0x41: {  	_ =	shalt  }
0x42: {  	_ =	shalt  }
0x43: {  	_ =	shalt  }
0x44: {  	_ =	shalt  }
0x45: {  	_ =	shalt  }
0x46: {  	_ =	shalt  }
0x47: {  	_ =	shalt  }
0x48: {  	_ =	shalt  }
0x49: {  	_ =	shalt  }
0x4a: {  	_ =	shalt  }
0x4b: {  	_ =	shalt  }
0x4c: {  	_ =	shalt  }
0x4d: {  	_ =	shalt  }
0x4e: {  	_ =	shalt  }
0x4f: {  	_ =	shalt  }
0x50: {  	_ =	shalt  }
0x51: {  	_ =	shalt  }
0x52: {  	_ =	shalt  }
0x53: {  	_ =	shalt  }
0x54: {  	_ =	shalt  }
0x55: {  	_ =	shalt  }
0x56: {  	_ =	shalt  }
0x57: {  	_ =	shalt  }
0x58: {  	_ =	shalt  }
0x59: {  	_ =	shalt  }
0x5a: {  	_ =	shalt  }
0x5b: {  	_ =	shalt  }
0x5c: {  	_ =	shalt  }
0x5d: {  	_ =	shalt  }
0x5e: {  	_ =	shalt  }
0x5f: {  	_ =	shalt  }
0x60: {  	_ =	shalt  }
0x61: {  	_ =	shalt  }
0x62: {  	_ =	shalt  }
0x63: {  	_ =	shalt  }
0x64: {  	_ =	shalt  }
0x65: {  	_ =	shalt  }
0x66: {  	_ =	shalt  }
0x67: {  	_ =	shalt  }
0x68: {  	_ =	shalt  }
0x69: {  	_ =	shalt  }
0x6a: {  	_ =	shalt  }
0x6b: {  	_ =	shalt  }
0x6c: {  	_ =	shalt  }
0x6d: {  	_ =	shalt  }
0x6e: {  	_ =	shalt  }
0x6f: {  	_ =	shalt  }
0x70: {  	_ =	shalt  }
0x71: {  	_ =	shalt  }
0x72: {  	_ =	shalt  }
0x73: {  	_ =	shalt  }
0x74: {  	_ =	shalt  }
0x75: {  	_ =	shalt  }
0x76: {  	_ =	shalt  }
0x77: {  	_ =	shalt  }
0x78: {  	_ =	shalt  }
0x79: {  	_ =	shalt  }
0x7a: {  	_ =	shalt  }
0x7b: {  	_ =	shalt  }
0x7c: {  	_ =	shalt  }
0x7d: {  	_ =	shalt  }
0x7e: {  	_ =	shalt  }
0x7f: {  	_ =	shalt  }
0x80: {  	_ =	shalt  }
0x81: {  	_ =	shalt  }
0x82: {  	_ =	shalt  }
0x83: {  	_ =	shalt  }
0x84: {  	_ =	shalt  }
0x85: {  	_ =	shalt  }
0x86: {  	_ =	shalt  }
0x87: {  	_ =	shalt  }
.Lfunc_end0:
.L_simem_size_0:
called_computation.1_lowered:
.L_overlay_start_0:
0x88: {  	s2 =	sld [smem:$0x3FD9]  }
0x89: {  	s3 =	sld [smem:$0x3FFE];
	_ =	sdelay $0x1  }
0x8a: {  	s1 =	srdreg.scid  }
0x8b: {  	s0 =	sand.u32 $0x1, s1  }
0x8c: {  	s17 =	sshll.u32 s0, $0xA;
	s2 =	sadd.s32 s3, s2  }
0x8d: {  	s2 =	sadd.s32 s2, s17  }
0x8e: {  	[smem:$0x3FC0] =	sst s2  }
0x8f: {  	_ = 	snop  }
0x90: {  	s2 =	sld [smem:$0x3FD0];
	(tm) =	ssettm $0x1  }
0x91: {  	s18 =	sld [smem:$0x3FFB];
	_ =	sdelay $0x3  }
0x92: {  	_ =	strace s18  }
0x93: {  	s3 =	sld [smem:$0x3FFC];
	_ =	sdelay $0x3  }
0x94: {  	_ =	strace s3  }
0x95: {  	s3 =	sld [smem:$0x3FFD];
	_ =	sdelay $0x3  }
0x96: {  	_ =	strace s3  }
0x97: {  	_ =	strace $0x8FFFFFFF  }
0x98: {  	s19 =	sld [smem:$0x3FDB];
	_ =	sdelay $0x1  }
0x99: {  	s4 =	simm.s32 $_scs_section_size  }
0x9a: {  	s5 =	simm.s32 $_size__tile_overlayer_lowered;
	s6 =	simm.s32 $_tile_overlayer_lowered  }
0x9b: {  	s22 =	simm.s32 $0x1BFF;
	s21 =	sshll.u32 s6, $0x1;
	s3 =	sadd.s32 s4, s19  }
0x9c: {  	s7 =	simm.s32 $0x0;
	s20 =	sshll.u32 s5, $0x1;
	s5 =	sadd.s32 s21, s3  }
0x9d: {  	[timem:s7], [sflag:s22] =	dma.local [hbm:s5], s20  }
0x9e: {  	_ =	swait.ge [sflag:s22], s20  }
0x9f: {  	s4 =	ssub.s32 $0x0, s20;
	[sflag:s22] =	ssyncset.done $0x0  }
0xa0: {  	[sflag:s22] =	ssyncadd.s32 s4;
	_ =	sdelay $0x1  }
0xa1: {  	s23 =	simm.s32 $0x1B8B  }
0xa2: {  	_ =	swait.ge [sflag:s23], $0x1  }
0xa3: {  	[sflag:s23] =	ssyncset.done $0x0  }
0xa4: {  	s25 =	simm.s32 $0x1B8E;
	s24 =	sld [smem:$0x3FFE];
	[sflag:s23] =	ssyncadd.s32 $0xFFFFFFFF  }
0xa5: {  	s26 =	simm.s32 $execute0_lowered;
	[smem:$0x3FD2] =	sst s25  }
0xa6: {  	s5 =	sshll.u32 s26, $0x1;
	_ =	strace $0x80000049;
	[dreg:$0x1] =	wrdreg $0xFFFFFFFF  }
0xa7: {  	s28 =	simm.s32 $_size_execute0_lowered;
	s3 =	sadd.s32 s3, s5;
	[dreg:$0x0] =	wrdreg $0x0  }
0xa8: {  	s5 =	sshll.u32 s28, $0x1;
	[dreg:$0x2] =	wrdreg s3  }
0xa9: {  	[dreg:$0x3] =	wrdreg s5  }
0xaa: {  	[dreg:$0x4] =	wrdreg $0xC0  }
0xab: {  	_ =	task [dreg:s7], $0x5FFFF  }
0xac: {  	[dreg:$0x1] =	wrdreg $0xFFFFFFFF  }
0xad: {  	[dreg:$0x0] =	wrdreg $0x60  }
0xae: {  	[dreg:$0x2] =	wrdreg s24  }
0xaf: {  	[dreg:$0x3] =	wrdreg s2  }
0xb0: {  	[dreg:$0x4] =	wrdreg $0xA8000  }
0xb1: {  	[dreg:$0x5] =	wrdreg $0x9  }
0xb2: {  	_ =	task.clear_ibuf [dreg:s7], $0x6FFFF;
	_ =	strace $0x90000049  }
0xb3: {  	s29 =	simm.s32 $0x9;
	_ =	strace $0x8000004B  }
0xb4: {  	_ =	swait.ge [sflag:s29], $0x1  }
0xb5: {  	[sflag:s29] =	ssyncadd.s32 $0xFFFFFFFF  }
0xb6: {  	_ =	strace $0x9000004B  }
0xb7: {  	_ =	sfence  }
0xb8: {  	s30 =	sld [smem:$0x0];
	_ =	sdelay $0x2  }
0xb9: {  	s31 =	sshll.u32 s1, $0xD;
	s1 =	sshrl.u32 s1, $0x2  }
0xba: {  	s3 =	sand.u32 $0x4000, s31;
	s1 =	sadd.s32 s1, s30  }
0xbb: {  	s0 =	sor.u32 s3, s0;
	s1 =	sshll.u32 s1, $0x11  }
0xbc: {  	s0 =	sor.u32 s1, s0  }
0xbd: {  	s0 =	sadd.s32 $0x8F2B, s0  }
0xbe: {  	[sflag:s0] =	ssyncadd.remote.s32 $0x1  }
0xbf: {  	_ =	sfence.sel $0xFFFF  }
0xc0: {  	[dreg:$0x0] =	wrdreg $0xFFFFFFFF;
	(pc) =	sbr.abs _section_cstart, $3  }
0xc1: {  	[dreg:$0x1] =	wrdreg $0xFFFFFFFF  }
0xc2: {  	_ =	task.clear_ibuf [dreg:s7], $0x2FFFF;
	_ =	strace $0x9FFFFFFF  }
0xc3: {  	(tm) =	ssettm $0x7FFFFFFF  }
tec
execute0_lowered:
.L_overlay_start_1:
0x0: {  	(tag) =	ssettag $0x1  }
0x1: {  	s5 =	rddreg [dreg:$0x0]  }
0x2: {  	s9 =	rddreg [dreg:$0x1]  }
0x3: {  	s2 =	rddreg [dreg:$0x2]  }
0x4: {  	s0 =	rddreg [dreg:$0x3];
	s3 =	simm.s32 $0x0;
	s1 =	stileid.u32  }
0x5: {  	s4 =	srdreg.scid;
	s16 =	simm.s32 $0x80;
	s17 =	simm.s32 $0x2800  }
0x6: {  	s18 =	simm.s32 $0x6800;
	s19 =	simm.s32 $0x1;
	s20 =	simm.s32 $0x2  }
0x7: {  	s21 =	simm.s32 $0x1380;
	s22 =	simm.s32 $0x2700;
	s23 =	simm.s32 $0x2780  }
0x8: {  	s24 =	simm.s32 $0x0;
	[smem:$0x7FF] =	sst s3;
	s6 =	smul.u32 $0x13C00, s1  }
0x9: {  	s7 =	sand.u32 $0x1, s4;
	s4 =	sadd.s32 $0xC000, s5;
	s10 =	sadd.s32 $0x2000, s5  }
0xa: {  	s12 =	smul.u32 $0x4F000, s1;
	s30 =	sshll.u32 s1, $0x6;
	_ =	strace $0x8000004A  }
0xb: {  	s8 =	smul.u32 $0x13C000, s7;
	s28 =	sshll.u32 s7, $0x4;
	s7 =	ssub.s32 $0x2, s7  }
0xc: {  	s11 =	sshrl.u32 s6, $0x3;
	s13 =	sshrl.u32 s7, $0x1;
	s29 =	sshrl.u32 s12, $0x2  }
0xd: {  	s11 =	sadd.s32 s11, s5;
	s6 =	sadd.s32 s6, s8;
	s8 =	sor.u32 s1, s28  }
0xe: {  	s13 =	ssub.s32 s7, s13;
	s15 =	sadd.s32 s29, s2;
	s6 =	sshrl.u32 s6, $0x3  }
0xf: {  	s8 =	smul.u32 $0x2800, s8;
	s12 =	smax.u32 s13, $0x1;
	s13 =	sshrl.u32 s15, $0x3  }
0x10: {  	s15 =	simm.s32 $0x1400;
	s14 =	sadd.s32 s6, s5;
	s5 =	sadd.s32 $0x33800, s11  }
0x11: {  	s6 =	sor.u32 $0x1C03, s30;
	s8 =	sshrl.u32 s8, $0x3;
	s11 =	sadd.s32 $0x5B000, s14  }
0x12: {  	s14 =	simm.s32 $0x3;
	s31 =	sadd.s32 $0x280, s8;
	s7 =	sadd.s32 s9, s8  }
0x13: {  	s8 =	sadd.s32 s10, s8;
	s9 =	sadd.s32 s9, s31;
	s10 =	sadd.s32 s10, s31  }
.LBB2_1:
0x14: {  	[spmem:s13], [sflag:s6] =	dma.local [hbm:s5], $0x2780  }
0x15: {  	_ =	swait.ge [sflag:s14], $0x2780  }
0x16: {  	[sflag:s14] =	ssyncset.done $0x0  }
0x17: {  	[sflag:s14] =	ssyncadd.s32 $0xFFFFD880  }
0x18: {  	[bflag:$0x0] =	sbarrier.arrive $0xFFFF  }
0x19: {  	[tilespmem:s3], [sflag:$0x3] =	stream.linear.gather [hbm4b:s7+s3], $0x1400, $0x38;
	[tilespmem:$0x1E400] =	vst v63  }
0x1a: {  	_ =	swait.ge [sflag:s14], $0x1400  }
0x1b: {  	[sflag:s14] =	ssyncset.done $0x0  }
0x1c: {  	[sflag:s14] =	ssyncadd.s32 $0xFFFFEC00  }
0x1d: {  	[tilespmem:s15], [sflag:$0x3] =	stream.linear.gather [hbm4b:s8+s3], $0x1400, $0x38;
	[tilespmem:$0x1E400] =	vst v63  }
0x1e: {  	_ =	swait.ge [sflag:s14], $0x1400  }
0x1f: {  	[sflag:s14] =	ssyncset.done $0x0  }
0x20: {  	[sflag:s14] =	ssyncadd.s32 $0xFFFFEC00  }
0x21: {  	[tilespmem:s17], [sflag:$0x1] =	stream.indirect.gather [hbm4b:s4+s16], $0x80, s3, s16, $0xb8;
	[tilespmem:$0x1E400] =	vst v63  }
0x22: {  	s25 =	simm.s32 $0x80  }
0x23: {  	[tilespmem:s18], [sflag:$0x2] =	stream.indirect.gather [hbm4b:s4+s16], $0x80, s25, s16, $0xb8;
	[tilespmem:$0x1E400] =	vst v63  }
0x24: {  	_ =	swait.ge [sflag:s19], $0x4000  }
0x25: {  	[sflag:s19] =	ssyncset.done $0x0  }
0x26: {  	s29 =	simm.s32 $0x1400;
	[sflag:s19] =	ssyncadd.s32 $0xFFFFC000  }
0x27: {  	[spmem:s2] =	stream.indirect.scatter.add.f32 [tilespmem:s17], [sflag:$0x3], $0x80, s29, s16, $0xb8;
	[tilespmem:$0x1E400] =	vst v63  }
0x28: {  	_ =	swait.ge [sflag:s14], $0x4000  }
0x29: {  	[sflag:s14] =	ssyncset.done $0x0  }
0x2a: {  	s30 =	simm.s32 $0x100;
	[sflag:s14] =	ssyncadd.s32 $0xFFFFC000  }
0x2b: {  	[tilespmem:s17], [sflag:$0x1] =	stream.indirect.gather [hbm4b:s4+s16], $0x80, s30, s16, $0xb8;
	[tilespmem:$0x1E400] =	vst v63  }
0x2c: {  	_ =	swait.ge [sflag:s20], $0x4000  }
0x2d: {  	[sflag:s20] =	ssyncset.done $0x0  }
0x2e: {  	s31 =	simm.s32 $0x1480;
	[sflag:s20] =	ssyncadd.s32 $0xFFFFC000  }
0x2f: {  	[spmem:s2] =	stream.indirect.scatter.add.f32 [tilespmem:s18], [sflag:$0x3], $0x80, s31, s16, $0xb8;
	[tilespmem:$0x1E400] =	vst v63  }
0x30: {  	_ =	swait.ge [sflag:s14], $0x4000  }
0x31: {  	s26 =	simm.s32 $0x800;
	s25 =	simm.s32 $0x100;
	[sflag:s14] =	ssyncset.done $0x0  }
.LBB2_2:
0x32: {  	s28 =	sadd.s32 $0x80, s25  }
0x33: {  	[sflag:s14] =	ssyncadd.s32 $0xFFFFC000;
	s29 =	smov.u32 s26;
	s30 =	sadd.s32 $0x400, s26  }
0x34: {  	[tilespmem:s18], [sflag:$0x2] =	stream.indirect.gather [hbm4b:s4+s16], $0x80, s28, s16, $0xb8;
	[tilespmem:$0x1E400] =	vst v63  }
0x35: {  	p0 =	sne.s32 s26, $0x4800;
	_ =	swait.ge [sflag:s19], $0x4000  }
0x36: {  	[sflag:s19] =	ssyncset.done $0x0  }
0x37: {  	s26 =	sadd.s32 $0x1400, s25;
	[sflag:s19] =	ssyncadd.s32 $0xFFFFC000  }
0x38: {  	[spmem:s2] =	stream.indirect.scatter.add.f32 [tilespmem:s17], [sflag:$0x3], $0x80, s26, s16, $0xb8;
	[tilespmem:$0x1E400] =	vst v63  }
0x39: {  	_ =	swait.ge [sflag:s14], $0x4000  }
0x3a: {  	[sflag:s14] =	ssyncset.done $0x0  }
0x3b: {  	s26 =	sadd.s32 $0x100, s25;
	[sflag:s14] =	ssyncadd.s32 $0xFFFFC000  }
0x3c: {  	[tilespmem:s17], [sflag:$0x1] =	stream.indirect.gather [hbm4b:s4+s16], $0x80, s26, s16, $0xb8;
	[tilespmem:$0x1E400] =	vst v63  }
0x3d: {  	_ =	swait.ge [sflag:s20], $0x4000  }
.Ltmp0:
0x3e: {  	[sflag:s20] =	ssyncset.done $0x0;
	(pc) =	sbr.rel @p0 .LBB2_2-.Ltmp0, $4  }
0x3f: {  	s25 =	sadd.s32 $0x1480, s25;
	[sflag:s20] =	ssyncadd.s32 $0xFFFFC000  }
0x40: {  	[spmem:s2] =	stream.indirect.scatter.add.f32 [tilespmem:s18], [sflag:$0x3], $0x80, s25, s16, $0xb8;
	[tilespmem:$0x1E400] =	vst v63  }
0x41: {  	_ =	swait.ge [sflag:s14], $0x4000  }
0x42: {  	s26 =	smov.u32 s30;
	s25 =	sshra.s32 s29, $0x2;
	[sflag:s14] =	ssyncset.done $0x0  }
0x43: {  	s26 =	sadd.s32 $0x80, s25;
	[sflag:s14] =	ssyncadd.s32 $0xFFFFC000  }
0x44: {  	[tilespmem:s18], [sflag:$0x2] =	stream.indirect.gather [hbm4b:s4+s16], $0x80, s26, s16, $0xb8;
	[tilespmem:$0x1E400] =	vst v63  }
0x45: {  	_ =	swait.ge [sflag:s19], $0x4000  }
0x46: {  	[sflag:s19] =	ssyncset.done $0x0  }
0x47: {  	s29 =	sadd.s32 $0x1400, s25;
	[sflag:s19] =	ssyncadd.s32 $0xFFFFC000  }
0x48: {  	[spmem:s2] =	stream.indirect.scatter.add.f32 [tilespmem:s17], [sflag:$0x3], $0x80, s29, s16, $0xb8;
	[tilespmem:$0x1E400] =	vst v63  }
0x49: {  	_ =	swait.ge [sflag:s14], $0x4000  }
0x4a: {  	[sflag:s14] =	ssyncset.done $0x0  }
0x4b: {  	s30 =	sadd.s32 $0x100, s25;
	[sflag:s14] =	ssyncadd.s32 $0xFFFFC000  }
0x4c: {  	[tilespmem:s17], [sflag:$0x1] =	stream.indirect.gather [hbm4b:s4+s16], $0x80, s30, s16, $0xb8;
	[tilespmem:$0x1E400] =	vst v63  }
0x4d: {  	_ =	swait.ge [sflag:s20], $0x4000  }
0x4e: {  	[sflag:s20] =	ssyncset.done $0x0  }
0x4f: {  	s31 =	sadd.s32 $0x1480, s25;
	[sflag:s20] =	ssyncadd.s32 $0xFFFFC000  }
0x50: {  	[spmem:s2] =	stream.indirect.scatter.add.f32 [tilespmem:s18], [sflag:$0x3], $0x80, s31, s16, $0xb8;
	[tilespmem:$0x1E400] =	vst v63  }
0x51: {  	_ =	swait.ge [sflag:s14], $0x4000  }
0x52: {  	[sflag:s14] =	ssyncset.done $0x0  }
0x53: {  	[sflag:s14] =	ssyncadd.s32 $0xFFFFC000  }
0x54: {  	[tilespmem:s18], [sflag:$0x2] =	stream.indirect.gather [hbm4b:s4+s16], $0x80, s21, s16, $0xb8;
	[tilespmem:$0x1E400] =	vst v63  }
0x55: {  	_ =	swait.ge [sflag:s19], $0x4000  }
0x56: {  	[sflag:s19] =	ssyncset.done $0x0  }
0x57: {  	[sflag:s19] =	ssyncadd.s32 $0xFFFFC000  }
0x58: {  	[spmem:s2] =	stream.indirect.scatter.add.f32 [tilespmem:s17], [sflag:$0x3], $0x80, s22, s16, $0xb8;
	[tilespmem:$0x1E400] =	vst v63  }
0x59: {  	_ =	swait.ge [sflag:s14], $0x4000  }
0x5a: {  	[sflag:s14] =	ssyncset.done $0x0  }
0x5b: {  	[sflag:s14] =	ssyncadd.s32 $0xFFFFC000  }
0x5c: {  	_ =	swait.ge [sflag:s20], $0x4000  }
0x5d: {  	[sflag:s20] =	ssyncset.done $0x0  }
0x5e: {  	[sflag:s20] =	ssyncadd.s32 $0xFFFFC000  }
0x5f: {  	[spmem:s2] =	stream.indirect.scatter.add.f32 [tilespmem:s18], [sflag:$0x3], $0x80, s23, s16, $0xb8;
	[tilespmem:$0x1E400] =	vst v63  }
0x60: {  	_ =	swait.ge [sflag:s14], $0x4000  }
0x61: {  	[sflag:s14] =	ssyncset.done $0x0  }
0x62: {  	s26 =	simm.s32 $0x0;
	[sflag:s14] =	ssyncadd.s32 $0xFFFFC000  }
0x63: {  	[tilespmem:s26], [sflag:$0x3] =	stream.linear.gather [hbm4b:s9+s26], $0x1400, $0x38;
	[tilespmem:$0x1E400] =	vst v63  }
0x64: {  	_ =	swait.ge [sflag:s14], $0x1400  }
0x65: {  	[sflag:s14] =	ssyncset.done $0x0  }
0x66: {  	[sflag:s14] =	ssyncadd.s32 $0xFFFFEC00  }
0x67: {  	[tilespmem:s15], [sflag:$0x3] =	stream.linear.gather [hbm4b:s10+s26], $0x1400, $0x38;
	[tilespmem:$0x1E400] =	vst v63  }
0x68: {  	_ =	swait.ge [sflag:s14], $0x1400  }
0x69: {  	[sflag:s14] =	ssyncset.done $0x0  }
0x6a: {  	[sflag:s14] =	ssyncadd.s32 $0xFFFFEC00  }
0x6b: {  	[tilespmem:s17], [sflag:$0x1] =	stream.indirect.gather [hbm4b:s4+s16], $0x80, s26, s16, $0xb8;
	[tilespmem:$0x1E400] =	vst v63  }
0x6c: {  	s28 =	simm.s32 $0x80  }
0x6d: {  	[tilespmem:s18], [sflag:$0x2] =	stream.indirect.gather [hbm4b:s4+s16], $0x80, s28, s16, $0xb8;
	[tilespmem:$0x1E400] =	vst v63  }
0x6e: {  	_ =	swait.ge [sflag:s19], $0x4000  }
0x6f: {  	[sflag:s19] =	ssyncset.done $0x0  }
0x70: {  	s29 =	simm.s32 $0x1400;
	[sflag:s19] =	ssyncadd.s32 $0xFFFFC000  }
0x71: {  	[spmem:s2] =	stream.indirect.scatter.add.f32 [tilespmem:s17], [sflag:$0x3], $0x80, s29, s16, $0xb8;
	[tilespmem:$0x1E400] =	vst v63  }
0x72: {  	_ =	swait.ge [sflag:s14], $0x4000  }
0x73: {  	[sflag:s14] =	ssyncset.done $0x0  }
0x74: {  	s30 =	simm.s32 $0x100;
	[sflag:s14] =	ssyncadd.s32 $0xFFFFC000  }
0x75: {  	[tilespmem:s17], [sflag:$0x1] =	stream.indirect.gather [hbm4b:s4+s16], $0x80, s30, s16, $0xb8;
	[tilespmem:$0x1E400] =	vst v63  }
0x76: {  	_ =	swait.ge [sflag:s20], $0x4000  }
0x77: {  	[sflag:s20] =	ssyncset.done $0x0  }
0x78: {  	s31 =	simm.s32 $0x1480;
	[sflag:s20] =	ssyncadd.s32 $0xFFFFC000  }
0x79: {  	[spmem:s2] =	stream.indirect.scatter.add.f32 [tilespmem:s18], [sflag:$0x3], $0x80, s31, s16, $0xb8;
	[tilespmem:$0x1E400] =	vst v63  }
0x7a: {  	_ =	swait.ge [sflag:s14], $0x4000  }
0x7b: {  	s25 =	simm.s32 $0x100;
	s26 =	simm.s32 $0x800;
	[sflag:s14] =	ssyncset.done $0x0  }
.LBB2_4:
0x7c: {  	s28 =	sadd.s32 $0x80, s25  }
0x7d: {  	[sflag:s14] =	ssyncadd.s32 $0xFFFFC000;
	s29 =	smov.u32 s26;
	s30 =	sadd.s32 $0x400, s26  }
0x7e: {  	[tilespmem:s18], [sflag:$0x2] =	stream.indirect.gather [hbm4b:s4+s16], $0x80, s28, s16, $0xb8;
	[tilespmem:$0x1E400] =	vst v63  }
0x7f: {  	p0 =	sne.s32 s26, $0x4800;
	_ =	swait.ge [sflag:s19], $0x4000  }
0x80: {  	[sflag:s19] =	ssyncset.done $0x0  }
0x81: {  	s26 =	sadd.s32 $0x1400, s25;
	[sflag:s19] =	ssyncadd.s32 $0xFFFFC000  }
0x82: {  	[spmem:s2] =	stream.indirect.scatter.add.f32 [tilespmem:s17], [sflag:$0x3], $0x80, s26, s16, $0xb8;
	[tilespmem:$0x1E400] =	vst v63  }
0x83: {  	_ =	swait.ge [sflag:s14], $0x4000  }
0x84: {  	[sflag:s14] =	ssyncset.done $0x0  }
0x85: {  	s26 =	sadd.s32 $0x100, s25;
	[sflag:s14] =	ssyncadd.s32 $0xFFFFC000  }
0x86: {  	[tilespmem:s17], [sflag:$0x1] =	stream.indirect.gather [hbm4b:s4+s16], $0x80, s26, s16, $0xb8;
	[tilespmem:$0x1E400] =	vst v63  }
0x87: {  	_ =	swait.ge [sflag:s20], $0x4000  }
.Ltmp1:
0x88: {  	[sflag:s20] =	ssyncset.done $0x0;
	(pc) =	sbr.rel @p0 .LBB2_4-.Ltmp1, $4  }
0x89: {  	s25 =	sadd.s32 $0x1480, s25;
	[sflag:s20] =	ssyncadd.s32 $0xFFFFC000  }
0x8a: {  	[spmem:s2] =	stream.indirect.scatter.add.f32 [tilespmem:s18], [sflag:$0x3], $0x80, s25, s16, $0xb8;
	[tilespmem:$0x1E400] =	vst v63  }
0x8b: {  	_ =	swait.ge [sflag:s14], $0x4000  }
0x8c: {  	s26 =	smov.u32 s30;
	s25 =	sshra.s32 s29, $0x2;
	[sflag:s14] =	ssyncset.done $0x0  }
0x8d: {  	s26 =	sadd.s32 $0x80, s25;
	[sflag:s14] =	ssyncadd.s32 $0xFFFFC000  }
0x8e: {  	[tilespmem:s18], [sflag:$0x2] =	stream.indirect.gather [hbm4b:s4+s16], $0x80, s26, s16, $0xb8;
	[tilespmem:$0x1E400] =	vst v63  }
0x8f: {  	_ =	swait.ge [sflag:s19], $0x4000  }
0x90: {  	[sflag:s19] =	ssyncset.done $0x0  }
0x91: {  	s29 =	sadd.s32 $0x1400, s25;
	[sflag:s19] =	ssyncadd.s32 $0xFFFFC000  }
0x92: {  	[spmem:s2] =	stream.indirect.scatter.add.f32 [tilespmem:s17], [sflag:$0x3], $0x80, s29, s16, $0xb8;
	[tilespmem:$0x1E400] =	vst v63  }
0x93: {  	_ =	swait.ge [sflag:s14], $0x4000  }
0x94: {  	[sflag:s14] =	ssyncset.done $0x0  }
0x95: {  	s30 =	sadd.s32 $0x100, s25;
	[sflag:s14] =	ssyncadd.s32 $0xFFFFC000  }
0x96: {  	[tilespmem:s17], [sflag:$0x1] =	stream.indirect.gather [hbm4b:s4+s16], $0x80, s30, s16, $0xb8;
	[tilespmem:$0x1E400] =	vst v63  }
0x97: {  	_ =	swait.ge [sflag:s20], $0x4000  }
0x98: {  	[sflag:s20] =	ssyncset.done $0x0  }
0x99: {  	s31 =	sadd.s32 $0x1480, s25;
	[sflag:s20] =	ssyncadd.s32 $0xFFFFC000  }
0x9a: {  	[spmem:s2] =	stream.indirect.scatter.add.f32 [tilespmem:s18], [sflag:$0x3], $0x80, s31, s16, $0xb8;
	[tilespmem:$0x1E400] =	vst v63  }
0x9b: {  	_ =	swait.ge [sflag:s14], $0x4000  }
0x9c: {  	[sflag:s14] =	ssyncset.done $0x0  }
0x9d: {  	[sflag:s14] =	ssyncadd.s32 $0xFFFFC000  }
0x9e: {  	[tilespmem:s18], [sflag:$0x2] =	stream.indirect.gather [hbm4b:s4+s16], $0x80, s21, s16, $0xb8;
	[tilespmem:$0x1E400] =	vst v63  }
0x9f: {  	_ =	swait.ge [sflag:s19], $0x4000  }
0xa0: {  	[sflag:s19] =	ssyncset.done $0x0  }
0xa1: {  	[sflag:s19] =	ssyncadd.s32 $0xFFFFC000  }
0xa2: {  	[spmem:s2] =	stream.indirect.scatter.add.f32 [tilespmem:s17], [sflag:$0x3], $0x80, s22, s16, $0xb8;
	[tilespmem:$0x1E400] =	vst v63  }
0xa3: {  	_ =	swait.ge [sflag:s14], $0x4000  }
0xa4: {  	[sflag:s14] =	ssyncset.done $0x0  }
0xa5: {  	[sflag:s14] =	ssyncadd.s32 $0xFFFFC000  }
0xa6: {  	_ =	swait.ge [sflag:s20], $0x4000  }
0xa7: {  	[sflag:s20] =	ssyncset.done $0x0  }
0xa8: {  	[sflag:s20] =	ssyncadd.s32 $0xFFFFC000  }
0xa9: {  	[spmem:s2] =	stream.indirect.scatter.add.f32 [tilespmem:s18], [sflag:$0x3], $0x80, s23, s16, $0xb8;
	[tilespmem:$0x1E400] =	vst v63  }
0xaa: {  	_ =	swait.ge [sflag:s14], $0x4000  }
0xab: {  	s24 =	sadd.s32 $0x1, s24;
	[sflag:s14] =	ssyncset.done $0x0  }
0xac: {  	p0 =	sne.s32 s24, s12;
	[sflag:s14] =	ssyncadd.s32 $0xFFFFC000  }
.Ltmp2:
0xad: {  	[bflag:$0x0] =	sbarrier.arrive $0xFFFF;
	(pc) =	sbr.rel @p0 .LBB2_1-.Ltmp2, $4  }
0xae: {  	[hbm:s11], [sflag:s6] =	dma.local [spmem:s13], $0x2780  }
0xaf: {  	_ =	swait.ge [sflag:s14], $0x2780  }
0xb0: {  	[sflag:s14] =	ssyncset.done $0x0  }
0xb1: {  	[sflag:s14] =	ssyncadd.s32 $0xFFFFD880  }
0xb2: {  	_ =	sfence.sel $0x180000  }
0xb3: {  	[bflag:$0x0] =	sbarrier.arrive $0xFFFF  }
0xb4: {  	p0 =	sne.s32 s1, $0x0;
	_ =	strace $0x9000004A  }
0xb5: {  	s0 =	sadd.s32 @!p0 $0x100000, s0;
	[bflag:$0x2] =	sbarrier.arrive $0xFFFF  }
0xb6: {  	[sflag:s0] =	ssyncadd.tile.s32 @!p0 $0x1;
	_ =	shalt  }
.Lfunc_end2:
_tile_overlayer_lowered:
.L_overlay_start_2:
0xb7: {  	(tag) =	ssettag $0x2  }
0xb8: {  	s0 =	rddreg [dreg:$0x0];
	s2 =	stileid.u32  }
0xb9: {  	s1 =	rddreg [dreg:$0x1];
	p0 =	sne.s32 s2, $0x0  }
0xba: {  	s3 =	rddreg [dreg:$0x2];
	[bflag:$0x3] =	sbarrier.arrive $0xFFFF;
	s2 =	simm.s32 @!p0 $0x1C03  }
0xbb: {  	[timem:s3], [sflag:s2] =	dma.local @!p0 [hbm:s0], s1  }
0xbc: {  	s0 =	simm.s32 @!p0 $0x3  }
0xbd: {  	_ =	swait.ge @!p0 [sflag:s0], s1  }
0xbe: {  	s1 =	ssub.s32 @!p0 $0x0, s1;
	[sflag:s0] =	ssyncset.done @!p0 $0x0  }
0xbf: {  	[sflag:s0] =	ssyncadd.s32 @!p0 s1  }
0xc0: {  	[bflag:$0x3] =	sbarrier.arrive $0xFFFF  }
0xc1: {  	_ =	shalt  }

// kernel: kernel.8.cloned.1.call-start
scs
__scs_entry_jumppad:
0x0: {  	(pc) =	sbr.rel $0x88, $3  }
0x1: {  	(tag) =	ssettag $0x0;
	lr =	simm.s32 $0x1  }
0x2: {  	[smem:$0x3F99] =	sst lr;
	_ =	strace $0xD0000000  }
0x3: {  	_ = 	snop  }
0x4: {  	_ = 	snop  }
0x5: {  	_ = 	snop  }
0x6: {  	_ = 	snop  }
0x7: {  	_ = 	snop  }
__scs_overlays_trampoline_lowered:
0x8: {  	[smem:$0x3FA8] =	sst s0  }
0x9: {  	[smem:$0x3FA9] =	sst s1  }
0xa: {  	[smem:$0x3FAA] =	sst s2  }
0xb: {  	[smem:$0x3FAB] =	sst s3  }
0xc: {  	[smem:$0x3FAC] =	sst s4  }
0xd: {  	[smem:$0x3FAD] =	sst s5  }
0xe: {  	[smem:$0x3FAE] =	sst s6  }
0xf: {  	[smem:$0x3FAF] =	sst s7  }
0x10: {  	[smem:$0x3FB0] =	sst s8  }
0x11: {  	[smem:$0x3FB1] =	sst s9;
	s0 =	simm.s32 @!p0 $0x0  }
0x12: {  	s1 =	sld [smem:$0x3F97];
	s0 =	simm.s32 @p0 $0x1  }
0x13: {  	[smem:$0x3FB2] =	sst s0;
	s0 =	simm.s32 @!p1 $0x0  }
0x14: {  	s2 =	sld [smem:$0x3F96];
	s0 =	simm.s32 @p1 $0x1  }
0x15: {  	[smem:$0x3FB3] =	sst s0;
	s0 =	simm.s32 @!p2 $0x0  }
0x16: {  	s3 =	sld [smem:$0x3FDB];
	s0 =	simm.s32 @p2 $0x1  }
0x17: {  	s4 =	simm.s32 $0x1BF5;
	[smem:$0x3FB5] =	sst s0  }
0x18: {  	s0 =	sld [smem:$0x3F98];
	_ =	swait.ge [sflag:s4], $0x0  }
0x19: {  	s7 =	sld [smem:$0x3F99]  }
0x1a: {  	s8 =	sadd.s32 $0xFFFFE003, lr  }
0x1b: {  	s9 =	sadd.s32 $0xFFFFFEF7, lr;
	s5 =	simm.s32 $0xFFFFFFFF;
	p2 =	slt.u32 s8, $0xFFFFF086  }
0x1c: {  	p1 =	slt.u32 s9, $0xF7A;
	s5 =	simm.s32 @!p2 $0x0  }
0x1d: {  	s5 =	simm.s32 @p1 $0x1;
	p0 =	seq.s32 s7, s2  }
0x1e: {  	s7 =	smul.u32 @!p0 $0xF7A, s2;
	p2 =	seq.s32 @!p0 s5, $0x0  }
0x1f: {  	s9 =	smul.u32 $0xF7A, s1;
	s8 =	simm.s32 @!p0 $0x1BF5;
	p2 =	por !p2, p0  }
0x20: {  	[sflag:s8] =	ssyncset.s32 @!p0 $0xFFFFF086;
	s6 =	sadd.s32 @!p0 s3, s7;
	s7 =	simm.s32 @!p0 $0x108  }
0x21: {  	s3 =	sadd.s32 s3, s9;
	s6 =	sadd.s32 @!p0 $0x88, s6;
	s7 =	simm.s32 @p2 $0x1082  }
0x22: {  	[simem:s7], [sflag:s8] =	dma.local @!p0 [hbm:s6], $0xF7A  }
0x23: {  	s9 =	sor.u32 $0xD0000000, s2;
	s6 =	simm.s32 $0x108;
	_ =	swait.ge @!p0 [sflag:s8], $0x0  }
0x24: {  	s3 =	sadd.s32 $0x88, s3;
	s6 =	simm.s32 @!p1 $0x1082;
	[sflag:s4] =	ssyncset.s32 $0xFFFFF086  }
0x25: {  	[simem:s6], [sflag:s4] =	dma.local [hbm:s3], $0xF7A  }
0x26: {  	[smem:$0x3F99] =	sst s1;
	(tag) =	ssettag s2;
	_ =	strace s9  }
0x27: {  	s1 =	sld [smem:$0x3FA9]  }
0x28: {  	s2 =	sld [smem:$0x3FAA]  }
0x29: {  	s4 =	sld [smem:$0x3FAC]  }
0x2a: {  	p0 =	seq.s32 s5, $0x0;
	s5 =	sld [smem:$0x3FAD]  }
0x2b: {  	s6 =	sld [smem:$0x3FAE]  }
0x2c: {  	s7 =	sld [smem:$0x3FAF]  }
0x2d: {  	s3 =	simm.s32 $0x108;
	s8 =	sld [smem:$0x3FB0]  }
0x2e: {  	s3 =	simm.s32 @!p0 $0x1082;
	s9 =	sld [smem:$0x3FB1]  }
0x2f: {  	lr =	sadd.s32 s0, s3;
	s0 =	sld [smem:$0x3FA8]  }
0x30: {  	s3 =	sld [smem:$0x3FAB]  }
0x31: {  	[smem:$0x3FB4] =	sst s10  }
0x32: {  	s10 =	sld [smem:$0x3FB2];
	_ =	sdelay $0x3  }
0x33: {  	p0 =	seq.s32 s10, $0x1;
	s10 =	sld [smem:$0x3FB4];
	_ =	sdelay $0x3  }
0x34: {  	[smem:$0x3FB4] =	sst s10  }
0x35: {  	s10 =	sld [smem:$0x3FB3];
	_ =	sdelay $0x3  }
0x36: {  	p1 =	seq.s32 s10, $0x1;
	s10 =	sld [smem:$0x3FB4];
	_ =	sdelay $0x3  }
0x37: {  	[smem:$0x3FB4] =	sst s10  }
0x38: {  	s10 =	sld [smem:$0x3FB5]  }
0x39: {  	_ = 	snop;
	(pc) =	sbr.ind lr, $3  }
0x3a: {  	_ = 	snop  }
0x3b: {  	_ = 	snop  }
0x3c: {  	p2 =	seq.s32 s10, $0x1;
	s10 =	sld [smem:$0x3FB4]  }
0x3d: {  	_ =	shalt  }
0x3e: {  	_ =	shalt  }
0x3f: {  	_ =	shalt  }
0x40: {  	_ =	shalt  }
0x41: {  	_ =	shalt  }
0x42: {  	_ =	shalt  }
0x43: {  	_ =	shalt  }
0x44: {  	_ =	shalt  }
0x45: {  	_ =	shalt  }
0x46: {  	_ =	shalt  }
0x47: {  	_ =	shalt  }
0x48: {  	_ =	shalt  }
0x49: {  	_ =	shalt  }
0x4a: {  	_ =	shalt  }
0x4b: {  	_ =	shalt  }
0x4c: {  	_ =	shalt  }
0x4d: {  	_ =	shalt  }
0x4e: {  	_ =	shalt  }
0x4f: {  	_ =	shalt  }
0x50: {  	_ =	shalt  }
0x51: {  	_ =	shalt  }
0x52: {  	_ =	shalt  }
0x53: {  	_ =	shalt  }
0x54: {  	_ =	shalt  }
0x55: {  	_ =	shalt  }
0x56: {  	_ =	shalt  }
0x57: {  	_ =	shalt  }
0x58: {  	_ =	shalt  }
0x59: {  	_ =	shalt  }
0x5a: {  	_ =	shalt  }
0x5b: {  	_ =	shalt  }
0x5c: {  	_ =	shalt  }
0x5d: {  	_ =	shalt  }
0x5e: {  	_ =	shalt  }
0x5f: {  	_ =	shalt  }
0x60: {  	_ =	shalt  }
0x61: {  	_ =	shalt  }
0x62: {  	_ =	shalt  }
0x63: {  	_ =	shalt  }
0x64: {  	_ =	shalt  }
0x65: {  	_ =	shalt  }
0x66: {  	_ =	shalt  }
0x67: {  	_ =	shalt  }
0x68: {  	_ =	shalt  }
0x69: {  	_ =	shalt  }
0x6a: {  	_ =	shalt  }
0x6b: {  	_ =	shalt  }
0x6c: {  	_ =	shalt  }
0x6d: {  	_ =	shalt  }
0x6e: {  	_ =	shalt  }
0x6f: {  	_ =	shalt  }
0x70: {  	_ =	shalt  }
0x71: {  	_ =	shalt  }
0x72: {  	_ =	shalt  }
0x73: {  	_ =	shalt  }
0x74: {  	_ =	shalt  }
0x75: {  	_ =	shalt  }
0x76: {  	_ =	shalt  }
0x77: {  	_ =	shalt  }
0x78: {  	_ =	shalt  }
0x79: {  	_ =	shalt  }
0x7a: {  	_ =	shalt  }
0x7b: {  	_ =	shalt  }
0x7c: {  	_ =	shalt  }
0x7d: {  	_ =	shalt  }
0x7e: {  	_ =	shalt  }
0x7f: {  	_ =	shalt  }
0x80: {  	_ =	shalt  }
0x81: {  	_ =	shalt  }
0x82: {  	_ =	shalt  }
0x83: {  	_ =	shalt  }
0x84: {  	_ =	shalt  }
0x85: {  	_ =	shalt  }
0x86: {  	_ =	shalt  }
0x87: {  	_ =	shalt  }
.Lfunc_end0:
.L_simem_size_0:
called_computation_lowered:
.L_overlay_start_0:
0x88: {  	s2 =	sld [smem:$0x3FD9]  }
0x89: {  	s3 =	sld [smem:$0x3FFE];
	_ =	sdelay $0x1  }
0x8a: {  	s1 =	srdreg.scid  }
0x8b: {  	s0 =	sand.u32 $0x1, s1  }
0x8c: {  	s17 =	sshll.u32 s0, $0xA;
	s2 =	sadd.s32 s3, s2  }
0x8d: {  	s2 =	sadd.s32 s2, s17  }
0x8e: {  	[smem:$0x3FC0] =	sst s2  }
0x8f: {  	_ = 	snop  }
0x90: {  	s2 =	sld [smem:$0x3FD0];
	(tm) =	ssettm $0x1  }
0x91: {  	s18 =	sld [smem:$0x3FFB];
	_ =	sdelay $0x3  }
0x92: {  	_ =	strace s18  }
0x93: {  	s3 =	sld [smem:$0x3FFC];
	_ =	sdelay $0x3  }
0x94: {  	_ =	strace s3  }
0x95: {  	s3 =	sld [smem:$0x3FFD];
	_ =	sdelay $0x3  }
0x96: {  	_ =	strace s3  }
0x97: {  	_ =	strace $0x8FFFFFFF  }
0x98: {  	s19 =	sld [smem:$0x3FDB];
	_ =	sdelay $0x1  }
0x99: {  	s4 =	simm.s32 $_scs_section_size  }
0x9a: {  	s5 =	simm.s32 $_size__tile_overlayer_lowered;
	s6 =	simm.s32 $_tile_overlayer_lowered  }
0x9b: {  	s22 =	simm.s32 $0x1BFF;
	s21 =	sshll.u32 s6, $0x1;
	s3 =	sadd.s32 s4, s19  }
0x9c: {  	s7 =	simm.s32 $0x0;
	s20 =	sshll.u32 s5, $0x1;
	s5 =	sadd.s32 s21, s3  }
0x9d: {  	[timem:s7], [sflag:s22] =	dma.local [hbm:s5], s20  }
0x9e: {  	_ =	swait.ge [sflag:s22], s20  }
0x9f: {  	s4 =	ssub.s32 $0x0, s20;
	[sflag:s22] =	ssyncset.done $0x0  }
0xa0: {  	[sflag:s22] =	ssyncadd.s32 s4;
	_ =	sdelay $0x1  }
0xa1: {  	s23 =	simm.s32 $0x1B8B  }
0xa2: {  	_ =	swait.ge [sflag:s23], $0x1  }
0xa3: {  	[sflag:s23] =	ssyncset.done $0x0  }
0xa4: {  	s25 =	simm.s32 $0x1B8E;
	s24 =	sld [smem:$0x3FFE];
	[sflag:s23] =	ssyncadd.s32 $0xFFFFFFFF  }
0xa5: {  	s26 =	simm.s32 $execute0_lowered;
	[smem:$0x3FD2] =	sst s25  }
0xa6: {  	s5 =	sshll.u32 s26, $0x1;
	_ =	strace $0x80000046;
	[dreg:$0x1] =	wrdreg $0xFFFFFFFF  }
0xa7: {  	s28 =	simm.s32 $_size_execute0_lowered;
	s3 =	sadd.s32 s3, s5;
	[dreg:$0x0] =	wrdreg $0x0  }
0xa8: {  	s5 =	sshll.u32 s28, $0x1;
	[dreg:$0x2] =	wrdreg s3  }
0xa9: {  	[dreg:$0x3] =	wrdreg s5  }
0xaa: {  	[dreg:$0x4] =	wrdreg $0xC0  }
0xab: {  	_ =	task [dreg:s7], $0x5FFFF  }
0xac: {  	[dreg:$0x1] =	wrdreg $0xFFFFFFFF  }
0xad: {  	[dreg:$0x0] =	wrdreg $0x60  }
0xae: {  	[dreg:$0x2] =	wrdreg s24  }
0xaf: {  	[dreg:$0x3] =	wrdreg s2  }
0xb0: {  	[dreg:$0x4] =	wrdreg $0xA8000  }
0xb1: {  	[dreg:$0x5] =	wrdreg $0x9  }
0xb2: {  	_ =	task.clear_ibuf [dreg:s7], $0x6FFFF;
	_ =	strace $0x90000046  }
0xb3: {  	s29 =	simm.s32 $0x9;
	_ =	strace $0x80000048  }
0xb4: {  	_ =	swait.ge [sflag:s29], $0x1  }
0xb5: {  	[sflag:s29] =	ssyncadd.s32 $0xFFFFFFFF  }
0xb6: {  	_ =	strace $0x90000048  }
0xb7: {  	_ =	sfence  }
0xb8: {  	s30 =	sld [smem:$0x0];
	_ =	sdelay $0x2  }
0xb9: {  	s31 =	sshll.u32 s1, $0xD;
	s1 =	sshrl.u32 s1, $0x2  }
0xba: {  	s3 =	sand.u32 $0x4000, s31;
	s1 =	sadd.s32 s1, s30  }
0xbb: {  	s0 =	sor.u32 s3, s0;
	s1 =	sshll.u32 s1, $0x11  }
0xbc: {  	s0 =	sor.u32 s1, s0  }
0xbd: {  	s0 =	sadd.s32 $0x8F2B, s0  }
0xbe: {  	[sflag:s0] =	ssyncadd.remote.s32 $0x1  }
0xbf: {  	_ =	sfence.sel $0xFFFF  }
0xc0: {  	[dreg:$0x0] =	wrdreg $0xFFFFFFFF;
	(pc) =	sbr.abs _section_cstart, $3  }
0xc1: {  	[dreg:$0x1] =	wrdreg $0xFFFFFFFF  }
0xc2: {  	_ =	task.clear_ibuf [dreg:s7], $0x2FFFF;
	_ =	strace $0x9FFFFFFF  }
0xc3: {  	(tm) =	ssettm $0x7FFFFFFF  }
tec
execute0_lowered:
.L_overlay_start_1:
0x0: {  	(tag) =	ssettag $0x1  }
0x1: {  	s5 =	rddreg [dreg:$0x0]  }
0x2: {  	s9 =	rddreg [dreg:$0x1]  }
0x3: {  	s2 =	rddreg [dreg:$0x2]  }
0x4: {  	s0 =	rddreg [dreg:$0x3];
	s3 =	simm.s32 $0x0;
	s1 =	stileid.u32  }
0x5: {  	s4 =	srdreg.scid;
	s16 =	simm.s32 $0x80;
	s17 =	simm.s32 $0x2800  }
0x6: {  	s18 =	simm.s32 $0x6800;
	s19 =	simm.s32 $0x1;
	s20 =	simm.s32 $0x2  }
0x7: {  	s21 =	simm.s32 $0x1380;
	s22 =	simm.s32 $0x2700;
	s23 =	simm.s32 $0x2780  }
0x8: {  	s24 =	simm.s32 $0x0;
	[smem:$0x7FF] =	sst s3;
	s6 =	smul.u32 $0x13C00, s1  }
0x9: {  	s7 =	sand.u32 $0x1, s4;
	s4 =	sadd.s32 $0xC000, s5;
	s10 =	sadd.s32 $0x2000, s5  }
0xa: {  	s12 =	smul.u32 $0x4F000, s1;
	s30 =	sshll.u32 s1, $0x6;
	_ =	strace $0x80000047  }
0xb: {  	s8 =	smul.u32 $0x13C000, s7;
	s28 =	sshll.u32 s7, $0x4;
	s7 =	ssub.s32 $0x2, s7  }
0xc: {  	s11 =	sshrl.u32 s6, $0x3;
	s13 =	sshrl.u32 s7, $0x1;
	s29 =	sshrl.u32 s12, $0x2  }
0xd: {  	s11 =	sadd.s32 s11, s5;
	s6 =	sadd.s32 s6, s8;
	s8 =	sor.u32 s1, s28  }
0xe: {  	s13 =	ssub.s32 s7, s13;
	s15 =	sadd.s32 s29, s2;
	s6 =	sshrl.u32 s6, $0x3  }
0xf: {  	s8 =	smul.u32 $0x2800, s8;
	s12 =	smax.u32 s13, $0x1;
	s13 =	sshrl.u32 s15, $0x3  }
0x10: {  	s15 =	simm.s32 $0x1400;
	s14 =	sadd.s32 s6, s5;
	s5 =	sadd.s32 $0x33800, s11  }
0x11: {  	s6 =	sor.u32 $0x1C03, s30;
	s8 =	sshrl.u32 s8, $0x3;
	s11 =	sadd.s32 $0x5B000, s14  }
0x12: {  	s14 =	simm.s32 $0x3;
	s31 =	sadd.s32 $0x280, s8;
	s7 =	sadd.s32 s9, s8  }
0x13: {  	s8 =	sadd.s32 s10, s8;
	s9 =	sadd.s32 s9, s31;
	s10 =	sadd.s32 s10, s31  }
.LBB2_1:
0x14: {  	[spmem:s13], [sflag:s6] =	dma.local [hbm:s5], $0x2780  }
0x15: {  	_ =	swait.ge [sflag:s14], $0x2780  }
0x16: {  	[sflag:s14] =	ssyncset.done $0x0  }
0x17: {  	[sflag:s14] =	ssyncadd.s32 $0xFFFFD880  }
0x18: {  	[bflag:$0x0] =	sbarrier.arrive $0xFFFF  }
0x19: {  	[tilespmem:s3], [sflag:$0x3] =	stream.linear.gather [hbm4b:s7+s3], $0x1400, $0x38;
	[tilespmem:$0x1E400] =	vst v63  }
0x1a: {  	_ =	swait.ge [sflag:s14], $0x1400  }
0x1b: {  	[sflag:s14] =	ssyncset.done $0x0  }
0x1c: {  	[sflag:s14] =	ssyncadd.s32 $0xFFFFEC00  }
0x1d: {  	[tilespmem:s15], [sflag:$0x3] =	stream.linear.gather [hbm4b:s8+s3], $0x1400, $0x38;
	[tilespmem:$0x1E400] =	vst v63  }
0x1e: {  	_ =	swait.ge [sflag:s14], $0x1400  }
0x1f: {  	[sflag:s14] =	ssyncset.done $0x0  }
0x20: {  	[sflag:s14] =	ssyncadd.s32 $0xFFFFEC00  }
0x21: {  	[tilespmem:s17], [sflag:$0x1] =	stream.indirect.gather [hbm4b:s4+s16], $0x80, s3, s16, $0xb8;
	[tilespmem:$0x1E400] =	vst v63  }
0x22: {  	s25 =	simm.s32 $0x80  }
0x23: {  	[tilespmem:s18], [sflag:$0x2] =	stream.indirect.gather [hbm4b:s4+s16], $0x80, s25, s16, $0xb8;
	[tilespmem:$0x1E400] =	vst v63  }
0x24: {  	_ =	swait.ge [sflag:s19], $0x4000  }
0x25: {  	[sflag:s19] =	ssyncset.done $0x0  }
0x26: {  	s29 =	simm.s32 $0x1400;
	[sflag:s19] =	ssyncadd.s32 $0xFFFFC000  }
0x27: {  	[spmem:s2] =	stream.indirect.scatter.add.f32 [tilespmem:s17], [sflag:$0x3], $0x80, s29, s16, $0xb8;
	[tilespmem:$0x1E400] =	vst v63  }
0x28: {  	_ =	swait.ge [sflag:s14], $0x4000  }
0x29: {  	[sflag:s14] =	ssyncset.done $0x0  }
0x2a: {  	s30 =	simm.s32 $0x100;
	[sflag:s14] =	ssyncadd.s32 $0xFFFFC000  }
0x2b: {  	[tilespmem:s17], [sflag:$0x1] =	stream.indirect.gather [hbm4b:s4+s16], $0x80, s30, s16, $0xb8;
	[tilespmem:$0x1E400] =	vst v63  }
0x2c: {  	_ =	swait.ge [sflag:s20], $0x4000  }
0x2d: {  	[sflag:s20] =	ssyncset.done $0x0  }
0x2e: {  	s31 =	simm.s32 $0x1480;
	[sflag:s20] =	ssyncadd.s32 $0xFFFFC000  }
0x2f: {  	[spmem:s2] =	stream.indirect.scatter.add.f32 [tilespmem:s18], [sflag:$0x3], $0x80, s31, s16, $0xb8;
	[tilespmem:$0x1E400] =	vst v63  }
0x30: {  	_ =	swait.ge [sflag:s14], $0x4000  }
0x31: {  	s26 =	simm.s32 $0x800;
	s25 =	simm.s32 $0x100;
	[sflag:s14] =	ssyncset.done $0x0  }
.LBB2_2:
0x32: {  	s28 =	sadd.s32 $0x80, s25  }
0x33: {  	[sflag:s14] =	ssyncadd.s32 $0xFFFFC000;
	s29 =	smov.u32 s26;
	s30 =	sadd.s32 $0x400, s26  }
0x34: {  	[tilespmem:s18], [sflag:$0x2] =	stream.indirect.gather [hbm4b:s4+s16], $0x80, s28, s16, $0xb8;
	[tilespmem:$0x1E400] =	vst v63  }
0x35: {  	p0 =	sne.s32 s26, $0x4800;
	_ =	swait.ge [sflag:s19], $0x4000  }
0x36: {  	[sflag:s19] =	ssyncset.done $0x0  }
0x37: {  	s26 =	sadd.s32 $0x1400, s25;
	[sflag:s19] =	ssyncadd.s32 $0xFFFFC000  }
0x38: {  	[spmem:s2] =	stream.indirect.scatter.add.f32 [tilespmem:s17], [sflag:$0x3], $0x80, s26, s16, $0xb8;
	[tilespmem:$0x1E400] =	vst v63  }
0x39: {  	_ =	swait.ge [sflag:s14], $0x4000  }
0x3a: {  	[sflag:s14] =	ssyncset.done $0x0  }
0x3b: {  	s26 =	sadd.s32 $0x100, s25;
	[sflag:s14] =	ssyncadd.s32 $0xFFFFC000  }
0x3c: {  	[tilespmem:s17], [sflag:$0x1] =	stream.indirect.gather [hbm4b:s4+s16], $0x80, s26, s16, $0xb8;
	[tilespmem:$0x1E400] =	vst v63  }
0x3d: {  	_ =	swait.ge [sflag:s20], $0x4000  }
.Ltmp0:
0x3e: {  	[sflag:s20] =	ssyncset.done $0x0;
	(pc) =	sbr.rel @p0 .LBB2_2-.Ltmp0, $4  }
0x3f: {  	s25 =	sadd.s32 $0x1480, s25;
	[sflag:s20] =	ssyncadd.s32 $0xFFFFC000  }
0x40: {  	[spmem:s2] =	stream.indirect.scatter.add.f32 [tilespmem:s18], [sflag:$0x3], $0x80, s25, s16, $0xb8;
	[tilespmem:$0x1E400] =	vst v63  }
0x41: {  	_ =	swait.ge [sflag:s14], $0x4000  }
0x42: {  	s26 =	smov.u32 s30;
	s25 =	sshra.s32 s29, $0x2;
	[sflag:s14] =	ssyncset.done $0x0  }
0x43: {  	s26 =	sadd.s32 $0x80, s25;
	[sflag:s14] =	ssyncadd.s32 $0xFFFFC000  }
0x44: {  	[tilespmem:s18], [sflag:$0x2] =	stream.indirect.gather [hbm4b:s4+s16], $0x80, s26, s16, $0xb8;
	[tilespmem:$0x1E400] =	vst v63  }
0x45: {  	_ =	swait.ge [sflag:s19], $0x4000  }
0x46: {  	[sflag:s19] =	ssyncset.done $0x0  }
0x47: {  	s29 =	sadd.s32 $0x1400, s25;
	[sflag:s19] =	ssyncadd.s32 $0xFFFFC000  }
0x48: {  	[spmem:s2] =	stream.indirect.scatter.add.f32 [tilespmem:s17], [sflag:$0x3], $0x80, s29, s16, $0xb8;
	[tilespmem:$0x1E400] =	vst v63  }
0x49: {  	_ =	swait.ge [sflag:s14], $0x4000  }
0x4a: {  	[sflag:s14] =	ssyncset.done $0x0  }
0x4b: {  	s30 =	sadd.s32 $0x100, s25;
	[sflag:s14] =	ssyncadd.s32 $0xFFFFC000  }
0x4c: {  	[tilespmem:s17], [sflag:$0x1] =	stream.indirect.gather [hbm4b:s4+s16], $0x80, s30, s16, $0xb8;
	[tilespmem:$0x1E400] =	vst v63  }
0x4d: {  	_ =	swait.ge [sflag:s20], $0x4000  }
0x4e: {  	[sflag:s20] =	ssyncset.done $0x0  }
0x4f: {  	s31 =	sadd.s32 $0x1480, s25;
	[sflag:s20] =	ssyncadd.s32 $0xFFFFC000  }
0x50: {  	[spmem:s2] =	stream.indirect.scatter.add.f32 [tilespmem:s18], [sflag:$0x3], $0x80, s31, s16, $0xb8;
	[tilespmem:$0x1E400] =	vst v63  }
0x51: {  	_ =	swait.ge [sflag:s14], $0x4000  }
0x52: {  	[sflag:s14] =	ssyncset.done $0x0  }
0x53: {  	[sflag:s14] =	ssyncadd.s32 $0xFFFFC000  }
0x54: {  	[tilespmem:s18], [sflag:$0x2] =	stream.indirect.gather [hbm4b:s4+s16], $0x80, s21, s16, $0xb8;
	[tilespmem:$0x1E400] =	vst v63  }
0x55: {  	_ =	swait.ge [sflag:s19], $0x4000  }
0x56: {  	[sflag:s19] =	ssyncset.done $0x0  }
0x57: {  	[sflag:s19] =	ssyncadd.s32 $0xFFFFC000  }
0x58: {  	[spmem:s2] =	stream.indirect.scatter.add.f32 [tilespmem:s17], [sflag:$0x3], $0x80, s22, s16, $0xb8;
	[tilespmem:$0x1E400] =	vst v63  }
0x59: {  	_ =	swait.ge [sflag:s14], $0x4000  }
0x5a: {  	[sflag:s14] =	ssyncset.done $0x0  }
0x5b: {  	[sflag:s14] =	ssyncadd.s32 $0xFFFFC000  }
0x5c: {  	_ =	swait.ge [sflag:s20], $0x4000  }
0x5d: {  	[sflag:s20] =	ssyncset.done $0x0  }
0x5e: {  	[sflag:s20] =	ssyncadd.s32 $0xFFFFC000  }
0x5f: {  	[spmem:s2] =	stream.indirect.scatter.add.f32 [tilespmem:s18], [sflag:$0x3], $0x80, s23, s16, $0xb8;
	[tilespmem:$0x1E400] =	vst v63  }
0x60: {  	_ =	swait.ge [sflag:s14], $0x4000  }
0x61: {  	[sflag:s14] =	ssyncset.done $0x0  }
0x62: {  	s26 =	simm.s32 $0x0;
	[sflag:s14] =	ssyncadd.s32 $0xFFFFC000  }
0x63: {  	[tilespmem:s26], [sflag:$0x3] =	stream.linear.gather [hbm4b:s9+s26], $0x1400, $0x38;
	[tilespmem:$0x1E400] =	vst v63  }
0x64: {  	_ =	swait.ge [sflag:s14], $0x1400  }
0x65: {  	[sflag:s14] =	ssyncset.done $0x0  }
0x66: {  	[sflag:s14] =	ssyncadd.s32 $0xFFFFEC00  }
0x67: {  	[tilespmem:s15], [sflag:$0x3] =	stream.linear.gather [hbm4b:s10+s26], $0x1400, $0x38;
	[tilespmem:$0x1E400] =	vst v63  }
0x68: {  	_ =	swait.ge [sflag:s14], $0x1400  }
0x69: {  	[sflag:s14] =	ssyncset.done $0x0  }
0x6a: {  	[sflag:s14] =	ssyncadd.s32 $0xFFFFEC00  }
0x6b: {  	[tilespmem:s17], [sflag:$0x1] =	stream.indirect.gather [hbm4b:s4+s16], $0x80, s26, s16, $0xb8;
	[tilespmem:$0x1E400] =	vst v63  }
0x6c: {  	s28 =	simm.s32 $0x80  }
0x6d: {  	[tilespmem:s18], [sflag:$0x2] =	stream.indirect.gather [hbm4b:s4+s16], $0x80, s28, s16, $0xb8;
	[tilespmem:$0x1E400] =	vst v63  }
0x6e: {  	_ =	swait.ge [sflag:s19], $0x4000  }
0x6f: {  	[sflag:s19] =	ssyncset.done $0x0  }
0x70: {  	s29 =	simm.s32 $0x1400;
	[sflag:s19] =	ssyncadd.s32 $0xFFFFC000  }
0x71: {  	[spmem:s2] =	stream.indirect.scatter.add.f32 [tilespmem:s17], [sflag:$0x3], $0x80, s29, s16, $0xb8;
	[tilespmem:$0x1E400] =	vst v63  }
0x72: {  	_ =	swait.ge [sflag:s14], $0x4000  }
0x73: {  	[sflag:s14] =	ssyncset.done $0x0  }
0x74: {  	s30 =	simm.s32 $0x100;
	[sflag:s14] =	ssyncadd.s32 $0xFFFFC000  }
0x75: {  	[tilespmem:s17], [sflag:$0x1] =	stream.indirect.gather [hbm4b:s4+s16], $0x80, s30, s16, $0xb8;
	[tilespmem:$0x1E400] =	vst v63  }
0x76: {  	_ =	swait.ge [sflag:s20], $0x4000  }
0x77: {  	[sflag:s20] =	ssyncset.done $0x0  }
0x78: {  	s31 =	simm.s32 $0x1480;
	[sflag:s20] =	ssyncadd.s32 $0xFFFFC000  }
0x79: {  	[spmem:s2] =	stream.indirect.scatter.add.f32 [tilespmem:s18], [sflag:$0x3], $0x80, s31, s16, $0xb8;
	[tilespmem:$0x1E400] =	vst v63  }
0x7a: {  	_ =	swait.ge [sflag:s14], $0x4000  }
0x7b: {  	s25 =	simm.s32 $0x100;
	s26 =	simm.s32 $0x800;
	[sflag:s14] =	ssyncset.done $0x0  }
.LBB2_4:
0x7c: {  	s28 =	sadd.s32 $0x80, s25  }
0x7d: {  	[sflag:s14] =	ssyncadd.s32 $0xFFFFC000;
	s29 =	smov.u32 s26;
	s30 =	sadd.s32 $0x400, s26  }
0x7e: {  	[tilespmem:s18], [sflag:$0x2] =	stream.indirect.gather [hbm4b:s4+s16], $0x80, s28, s16, $0xb8;
	[tilespmem:$0x1E400] =	vst v63  }
0x7f: {  	p0 =	sne.s32 s26, $0x4800;
	_ =	swait.ge [sflag:s19], $0x4000  }
0x80: {  	[sflag:s19] =	ssyncset.done $0x0  }
0x81: {  	s26 =	sadd.s32 $0x1400, s25;
	[sflag:s19] =	ssyncadd.s32 $0xFFFFC000  }
0x82: {  	[spmem:s2] =	stream.indirect.scatter.add.f32 [tilespmem:s17], [sflag:$0x3], $0x80, s26, s16, $0xb8;
	[tilespmem:$0x1E400] =	vst v63  }
0x83: {  	_ =	swait.ge [sflag:s14], $0x4000  }
0x84: {  	[sflag:s14] =	ssyncset.done $0x0  }
0x85: {  	s26 =	sadd.s32 $0x100, s25;
	[sflag:s14] =	ssyncadd.s32 $0xFFFFC000  }
0x86: {  	[tilespmem:s17], [sflag:$0x1] =	stream.indirect.gather [hbm4b:s4+s16], $0x80, s26, s16, $0xb8;
	[tilespmem:$0x1E400] =	vst v63  }
0x87: {  	_ =	swait.ge [sflag:s20], $0x4000  }
.Ltmp1:
0x88: {  	[sflag:s20] =	ssyncset.done $0x0;
	(pc) =	sbr.rel @p0 .LBB2_4-.Ltmp1, $4  }
0x89: {  	s25 =	sadd.s32 $0x1480, s25;
	[sflag:s20] =	ssyncadd.s32 $0xFFFFC000  }
0x8a: {  	[spmem:s2] =	stream.indirect.scatter.add.f32 [tilespmem:s18], [sflag:$0x3], $0x80, s25, s16, $0xb8;
	[tilespmem:$0x1E400] =	vst v63  }
0x8b: {  	_ =	swait.ge [sflag:s14], $0x4000  }
0x8c: {  	s26 =	smov.u32 s30;
	s25 =	sshra.s32 s29, $0x2;
	[sflag:s14] =	ssyncset.done $0x0  }
0x8d: {  	s26 =	sadd.s32 $0x80, s25;
	[sflag:s14] =	ssyncadd.s32 $0xFFFFC000  }
0x8e: {  	[tilespmem:s18], [sflag:$0x2] =	stream.indirect.gather [hbm4b:s4+s16], $0x80, s26, s16, $0xb8;
	[tilespmem:$0x1E400] =	vst v63  }
0x8f: {  	_ =	swait.ge [sflag:s19], $0x4000  }
0x90: {  	[sflag:s19] =	ssyncset.done $0x0  }
0x91: {  	s29 =	sadd.s32 $0x1400, s25;
	[sflag:s19] =	ssyncadd.s32 $0xFFFFC000  }
0x92: {  	[spmem:s2] =	stream.indirect.scatter.add.f32 [tilespmem:s17], [sflag:$0x3], $0x80, s29, s16, $0xb8;
	[tilespmem:$0x1E400] =	vst v63  }
0x93: {  	_ =	swait.ge [sflag:s14], $0x4000  }
0x94: {  	[sflag:s14] =	ssyncset.done $0x0  }
0x95: {  	s30 =	sadd.s32 $0x100, s25;
	[sflag:s14] =	ssyncadd.s32 $0xFFFFC000  }
0x96: {  	[tilespmem:s17], [sflag:$0x1] =	stream.indirect.gather [hbm4b:s4+s16], $0x80, s30, s16, $0xb8;
	[tilespmem:$0x1E400] =	vst v63  }
0x97: {  	_ =	swait.ge [sflag:s20], $0x4000  }
0x98: {  	[sflag:s20] =	ssyncset.done $0x0  }
0x99: {  	s31 =	sadd.s32 $0x1480, s25;
	[sflag:s20] =	ssyncadd.s32 $0xFFFFC000  }
0x9a: {  	[spmem:s2] =	stream.indirect.scatter.add.f32 [tilespmem:s18], [sflag:$0x3], $0x80, s31, s16, $0xb8;
	[tilespmem:$0x1E400] =	vst v63  }
0x9b: {  	_ =	swait.ge [sflag:s14], $0x4000  }
0x9c: {  	[sflag:s14] =	ssyncset.done $0x0  }
0x9d: {  	[sflag:s14] =	ssyncadd.s32 $0xFFFFC000  }
0x9e: {  	[tilespmem:s18], [sflag:$0x2] =	stream.indirect.gather [hbm4b:s4+s16], $0x80, s21, s16, $0xb8;
	[tilespmem:$0x1E400] =	vst v63  }
0x9f: {  	_ =	swait.ge [sflag:s19], $0x4000  }
0xa0: {  	[sflag:s19] =	ssyncset.done $0x0  }
0xa1: {  	[sflag:s19] =	ssyncadd.s32 $0xFFFFC000  }
0xa2: {  	[spmem:s2] =	stream.indirect.scatter.add.f32 [tilespmem:s17], [sflag:$0x3], $0x80, s22, s16, $0xb8;
	[tilespmem:$0x1E400] =	vst v63  }
0xa3: {  	_ =	swait.ge [sflag:s14], $0x4000  }
0xa4: {  	[sflag:s14] =	ssyncset.done $0x0  }
0xa5: {  	[sflag:s14] =	ssyncadd.s32 $0xFFFFC000  }
0xa6: {  	_ =	swait.ge [sflag:s20], $0x4000  }
0xa7: {  	[sflag:s20] =	ssyncset.done $0x0  }
0xa8: {  	[sflag:s20] =	ssyncadd.s32 $0xFFFFC000  }
0xa9: {  	[spmem:s2] =	stream.indirect.scatter.add.f32 [tilespmem:s18], [sflag:$0x3], $0x80, s23, s16, $0xb8;
	[tilespmem:$0x1E400] =	vst v63  }
0xaa: {  	_ =	swait.ge [sflag:s14], $0x4000  }
0xab: {  	s24 =	sadd.s32 $0x1, s24;
	[sflag:s14] =	ssyncset.done $0x0  }
0xac: {  	p0 =	sne.s32 s24, s12;
	[sflag:s14] =	ssyncadd.s32 $0xFFFFC000  }
.Ltmp2:
0xad: {  	[bflag:$0x0] =	sbarrier.arrive $0xFFFF;
	(pc) =	sbr.rel @p0 .LBB2_1-.Ltmp2, $4  }
0xae: {  	[hbm:s11], [sflag:s6] =	dma.local [spmem:s13], $0x2780  }
0xaf: {  	_ =	swait.ge [sflag:s14], $0x2780  }
0xb0: {  	[sflag:s14] =	ssyncset.done $0x0  }
0xb1: {  	[sflag:s14] =	ssyncadd.s32 $0xFFFFD880  }
0xb2: {  	_ =	sfence.sel $0x180000  }
0xb3: {  	[bflag:$0x0] =	sbarrier.arrive $0xFFFF  }
0xb4: {  	p0 =	sne.s32 s1, $0x0;
	_ =	strace $0x90000047  }
0xb5: {  	s0 =	sadd.s32 @!p0 $0x100000, s0;
	[bflag:$0x2] =	sbarrier.arrive $0xFFFF  }
0xb6: {  	[sflag:s0] =	ssyncadd.tile.s32 @!p0 $0x1;
	_ =	shalt  }
.Lfunc_end2:
_tile_overlayer_lowered:
.L_overlay_start_2:
0xb7: {  	(tag) =	ssettag $0x2  }
0xb8: {  	s0 =	rddreg [dreg:$0x0];
	s2 =	stileid.u32  }
0xb9: {  	s1 =	rddreg [dreg:$0x1];
	p0 =	sne.s32 s2, $0x0  }
0xba: {  	s3 =	rddreg [dreg:$0x2];
	[bflag:$0x3] =	sbarrier.arrive $0xFFFF;
	s2 =	simm.s32 @!p0 $0x1C03  }
0xbb: {  	[timem:s3], [sflag:s2] =	dma.local @!p0 [hbm:s0], s1  }
0xbc: {  	s0 =	simm.s32 @!p0 $0x3  }
0xbd: {  	_ =	swait.ge @!p0 [sflag:s0], s1  }
0xbe: {  	s1 =	ssub.s32 @!p0 $0x0, s1;
	[sflag:s0] =	ssyncset.done @!p0 $0x0  }
0xbf: {  	[sflag:s0] =	ssyncadd.s32 @!p0 s1  }
0xc0: {  	[bflag:$0x3] =	sbarrier.arrive $0xFFFF  }
0xc1: {  	_ =	shalt  }

</sc_bundles>
